<compile_context>
chip_gen: v7x
topology: tpu7x:2x2x1
jax: 0.10.2.dev20260603
libtpu: 0.0.44.dev20260713+nightly
codegen_flags: <defaults>
</compile_context>

<pallas_src>
import functools

import jax
import jax.numpy as jnp
from jax import lax
from jax.experimental import pallas as pl
from jax.experimental.pallas import tpu as pltpu
from jax.experimental.pallas import tpu_sc as plsc

NUM_TOKENS = 4096 * 200
DIM = 128

_CHUNK = 80
_CYCLE = 4


def _build():
    info = plsc.get_sparse_core_info()
    nw = info.num_cores * info.num_subcores
    rows_per_w = NUM_TOKENS // nw
    n_chunks = rows_per_w // _CHUNK
    n_groups = n_chunks // _CYCLE
    idx_rows_per_w = n_chunks

    mesh = plsc.VectorSubcoreMesh(core_axis_name="c", subcore_axis_name="s")

    @functools.partial(
        pl.kernel,
        mesh=mesh,
        out_type=jax.ShapeDtypeStruct((NUM_TOKENS, DIM), jnp.float32),
        scratch_types=[
            pltpu.VMEM((idx_rows_per_w, _CHUNK), jnp.int32),
            pltpu.VMEM((_CYCLE, _CHUNK, DIM), jnp.float32),
            pltpu.VMEM_SHARED((info.num_subcores, _CYCLE, _CHUNK, DIM),
                              jnp.float32),
        ] + [pltpu.SemaphoreType.DMA] * (3 * _CYCLE),
    )
    def emb(idx_hbm, table_hbm, out_hbm, idx_v, rows_v, sp, *sems):
        gsems = sems[:_CYCLE]
        csems = sems[_CYCLE:2 * _CYCLE]
        hsems = sems[2 * _CYCLE:]

        wid = lax.axis_index("s") * info.num_cores + lax.axis_index("c")
        sid = lax.axis_index("s")
        base = wid * rows_per_w

        pltpu.sync_copy(idx_hbm.at[pl.ds(wid * idx_rows_per_w, idx_rows_per_w)],
                        idx_v)

        def out_at(j):
            return out_hbm.at[pl.ds(base + j * _CHUNK, _CHUNK)]

        def gather(j, b):
            return pltpu.make_async_copy(
                table_hbm.at[idx_v.at[j]], rows_v.at[b], gsems[b])

        def xbar(k):
            return pltpu.make_async_copy(rows_v.at[k], sp.at[sid, k], csems[k])

        def drain_sp(j, k):
            return pltpu.make_async_copy(sp.at[sid, k], out_at(j), hsems[k])

        for k in range(_CYCLE):
            gather(k, k).start()

        def do_group(j0, first, last):
            for k in range(_CYCLE):
                j = j0 + k
                gather(j, k).wait()
                if not first:
                    drain_sp(j - _CYCLE, k).wait()
                xbar(k).start()
                xbar(k).wait()
                drain_sp(j, k).start()
                if not last:
                    gather(j + _CYCLE, k).start()

        do_group(0, first=True, last=False)

        def group(g, _):
            do_group(g * _CYCLE, first=False, last=False)
            return _

        lax.fori_loop(1, n_groups - 1, group, None)

        do_group((n_groups - 1) * _CYCLE, first=False, last=True)

        j0 = (n_groups - 1) * _CYCLE
        for k in range(_CYCLE):
            drain_sp(j0 + k, k).wait()

    return emb


_EMB = _build()


@jax.jit
def kernel(token_ids, weight):
    idx2d = token_ids.reshape(NUM_TOKENS // _CHUNK, _CHUNK).astype(jnp.int32)
    out = _EMB(idx2d, weight)
    return out.reshape(*token_ids.shape, DIM)

# --- scband reference (transcript-rebuilt; emitter-appended) ---
"""Pipeline reference for scband-embedding-72275709657175 (READ-ONLY COPY).

The authoritative reference and input builder live on the scoring server;
editing this copy changes nothing except your own understanding.
"""

import jax, jax.numpy as jnp
import numpy as np

NUM_EMBEDDINGS = 100000
EMBEDDING_DIM = 128

def setup_inputs(seed: int = 0) -> dict:
    key = jax.random.key(seed)
    k_ids, k_w = jax.random.split(key)
    token_ids = jax.random.randint(k_ids, (4096, 200), 0, NUM_EMBEDDINGS, dtype=jnp.int64 if jax.config.jax_enable_x64 else jnp.int32)
    # trunc_normal_(mean=0, std=1, a=-3, b=3)
    weight = jax.random.truncated_normal(k_w, -3.0, 3.0, (NUM_EMBEDDINGS, EMBEDDING_DIM), dtype=jnp.float32)
    return {"token_ids": token_ids, "weight": weight}

def reference(token_ids, weight):
    # weight.index_select(0, token_ids.reshape(-1)).reshape(*token_ids.shape, -1)
    flat = token_ids.reshape(-1)
    out = jnp.take(weight, flat, axis=0)
    return out.reshape(*token_ids.shape, -1)

if __name__ == "__main__":
    import jax
    _d = setup_inputs()
    print(jax.jit(kernel)(*tuple(_d.values())))

</pallas_src>

<mosaic_0001>
#map = affine_map<(d0, d1) -> (0, 0)>
module attributes {stable_mosaic.version = 14 : i64} {
  func.func @emb(%arg0: i32, %arg1: i32, %arg2: memref<10240x80xi32, #tpu.memory_space<hbm>>, %arg3: memref<100000x128xf32, #tpu.memory_space<hbm>>, %arg4: memref<819200x128xf32, #tpu.memory_space<hbm>>, %arg5: memref<320x80xi32, #tpu.memory_space<vmem>>, %arg6: memref<4x80x128xf32, #tpu.memory_space<vmem>>, %arg7: memref<16x4x80x128xf32, #tpu.memory_space<vmem_shared>>, %arg8: memref<!tpu.dma_semaphore, #tpu.memory_space<semaphore_mem>>, %arg9: memref<!tpu.dma_semaphore, #tpu.memory_space<semaphore_mem>>, %arg10: memref<!tpu.dma_semaphore, #tpu.memory_space<semaphore_mem>>, %arg11: memref<!tpu.dma_semaphore, #tpu.memory_space<semaphore_mem>>, %arg12: memref<!tpu.dma_semaphore, #tpu.memory_space<semaphore_mem>>, %arg13: memref<!tpu.dma_semaphore, #tpu.memory_space<semaphore_mem>>, %arg14: memref<!tpu.dma_semaphore, #tpu.memory_space<semaphore_mem>>, %arg15: memref<!tpu.dma_semaphore, #tpu.memory_space<semaphore_mem>>, %arg16: memref<!tpu.dma_semaphore, #tpu.memory_space<semaphore_mem>>, %arg17: memref<!tpu.dma_semaphore, #tpu.memory_space<semaphore_mem>>, %arg18: memref<!tpu.dma_semaphore, #tpu.memory_space<semaphore_mem>>, %arg19: memref<!tpu.dma_semaphore, #tpu.memory_space<semaphore_mem>>) attributes {dimension_semantics = [#tpu.dimension_semantics<core_parallel>, #tpu.dimension_semantics<subcore_parallel>], iteration_bounds = array<i64: 2, 16>, scalar_prefetch = 0 : i64, scratch_operands = 15 : i64, tpu.core_type = #tpu.core_type<sc_vector_subcore>, window_params = [{transform_indices = #map}, {transform_indices = #map}, {transform_indices = #map}]} {
    %mul3A = arith.constant 2 : i32
    %mul3A_0 = arith.muli %arg1, %mul3A : i32
    %add3A = arith.addi %mul3A_0, %arg0 : i32
    %mul3A_1 = arith.constant 25600 : i32
    %mul3A_2 = arith.muli %add3A, %mul3A_1 : i32
    %mul3A_3 = arith.constant 320 : i32
    %mul3A_4 = arith.muli %add3A, %mul3A_3 : i32
    "tpu.region"() ({
      %run_scoped3A = tpu.sem_alloc : memref<!tpu.dma_semaphore, #tpu.memory_space<semaphore_mem>>
      %dma_start3A_631 = arith.constant 0 : i32
      %dma_start3A_632 = tpu.memref_slice %arg2[%mul3A_4, %dma_start3A_631] : memref<10240x80xi32, #tpu.memory_space<hbm>> -> memref<320x80xi32, #tpu.memory_space<hbm>>
      %dma_start3A_633 = arith.constant 0 : i32
      %dma_start3A_634 = tpu.memref_slice %arg2[%mul3A_4, %dma_start3A_633] : memref<10240x80xi32, #tpu.memory_space<hbm>> -> memref<320x80xi32, #tpu.memory_space<hbm>>
      tpu.enqueue_dma source(%dma_start3A_634 : memref<320x80xi32, #tpu.memory_space<hbm>>) target(%arg5 : memref<320x80xi32, #tpu.memory_space<vmem>>) target_semaphore(%run_scoped3A : memref<!tpu.dma_semaphore, #tpu.memory_space<semaphore_mem>>)
      %dma_wait3A_635 = arith.constant 0 : i32
      %dma_wait3A_636 = tpu.memref_slice %arg2[%mul3A_4, %dma_wait3A_635] : memref<10240x80xi32, #tpu.memory_space<hbm>> -> memref<320x80xi32, #tpu.memory_space<hbm>>
      %dma_wait3A_637 = arith.constant 0 : i32
      %dma_wait3A_638 = tpu.memref_slice %arg2[%mul3A_4, %dma_wait3A_637] : memref<10240x80xi32, #tpu.memory_space<hbm>> -> memref<320x80xi32, #tpu.memory_space<hbm>>
      tpu.wait_dma2 semaphore(%run_scoped3A : memref<!tpu.dma_semaphore, #tpu.memory_space<semaphore_mem>>) src(%dma_wait3A_638 : memref<320x80xi32, #tpu.memory_space<hbm>>) dst(%arg5 : memref<320x80xi32, #tpu.memory_space<vmem>>)
      tpu.yield
    }) : () -> ()
    %dma_start3A = arith.constant 0 : i32
    %dma_start3A_5 = arith.constant 0 : i32
    %dma_start3A_6 = arith.constant 0 : i32
    %dma_start3A_7 = arith.constant 0 : i32
    %dma_start3A_8 = tpu.memref_slice %arg6[%dma_start3A_5, %dma_start3A_6, %dma_start3A_7] : memref<4x80x128xf32, #tpu.memory_space<vmem>> -> memref<1x80x128xf32, #tpu.memory_space<vmem>>
    %dma_start3A_9 = tpu.memref_squeeze %dma_start3A_8 : memref<1x80x128xf32, #tpu.memory_space<vmem>> -> memref<80x128xf32, #tpu.memory_space<vmem>>
    %dma_start3A_10 = arith.constant 0 : i32
    %dma_start3A_11 = tpu.memref_slice %arg5[%dma_start3A, %dma_start3A_10] : memref<320x80xi32, #tpu.memory_space<vmem>> -> memref<1x80xi32, #tpu.memory_space<vmem>>
    %dma_start3A_12 = tpu.memref_squeeze %dma_start3A_11 : memref<1x80xi32, #tpu.memory_space<vmem>> -> memref<80xi32, #tpu.memory_space<vmem>>
    %dma_start3A_13 = arith.constant 0 : i32
    %dma_start3A_14 = arith.constant 0 : i32
    %dma_start3A_15 = tpu.memref_slice %arg3[%dma_start3A_13, %dma_start3A_14] : memref<100000x128xf32, #tpu.memory_space<hbm>> -> memref<100000x128xf32, #tpu.memory_space<hbm>>
    tpu.enqueue_indirect_dma source(%dma_start3A_15 : memref<100000x128xf32, #tpu.memory_space<hbm>>) target(%dma_start3A_9 : memref<80x128xf32, #tpu.memory_space<vmem>>) offsets(%dma_start3A_12 : memref<80xi32, #tpu.memory_space<vmem>>) semaphore(%arg8 : memref<!tpu.dma_semaphore, #tpu.memory_space<semaphore_mem>>)
    %dma_start3A_16 = arith.constant 1 : i32
    %dma_start3A_17 = arith.constant 1 : i32
    %dma_start3A_18 = arith.constant 0 : i32
    %dma_start3A_19 = arith.constant 0 : i32
    %dma_start3A_20 = tpu.memref_slice %arg6[%dma_start3A_17, %dma_start3A_18, %dma_start3A_19] : memref<4x80x128xf32, #tpu.memory_space<vmem>> -> memref<1x80x128xf32, #tpu.memory_space<vmem>>
    %dma_start3A_21 = tpu.memref_squeeze %dma_start3A_20 : memref<1x80x128xf32, #tpu.memory_space<vmem>> -> memref<80x128xf32, #tpu.memory_space<vmem>>
    %dma_start3A_22 = arith.constant 0 : i32
    %dma_start3A_23 = tpu.memref_slice %arg5[%dma_start3A_16, %dma_start3A_22] : memref<320x80xi32, #tpu.memory_space<vmem>> -> memref<1x80xi32, #tpu.memory_space<vmem>>
    %dma_start3A_24 = tpu.memref_squeeze %dma_start3A_23 : memref<1x80xi32, #tpu.memory_space<vmem>> -> memref<80xi32, #tpu.memory_space<vmem>>
    %dma_start3A_25 = arith.constant 0 : i32
    %dma_start3A_26 = arith.constant 0 : i32
    %dma_start3A_27 = tpu.memref_slice %arg3[%dma_start3A_25, %dma_start3A_26] : memref<100000x128xf32, #tpu.memory_space<hbm>> -> memref<100000x128xf32, #tpu.memory_space<hbm>>
    tpu.enqueue_indirect_dma source(%dma_start3A_27 : memref<100000x128xf32, #tpu.memory_space<hbm>>) target(%dma_start3A_21 : memref<80x128xf32, #tpu.memory_space<vmem>>) offsets(%dma_start3A_24 : memref<80xi32, #tpu.memory_space<vmem>>) semaphore(%arg9 : memref<!tpu.dma_semaphore, #tpu.memory_space<semaphore_mem>>)
    %dma_start3A_28 = arith.constant 2 : i32
    %dma_start3A_29 = arith.constant 2 : i32
    %dma_start3A_30 = arith.constant 0 : i32
    %dma_start3A_31 = arith.constant 0 : i32
    %dma_start3A_32 = tpu.memref_slice %arg6[%dma_start3A_29, %dma_start3A_30, %dma_start3A_31] : memref<4x80x128xf32, #tpu.memory_space<vmem>> -> memref<1x80x128xf32, #tpu.memory_space<vmem>>
    %dma_start3A_33 = tpu.memref_squeeze %dma_start3A_32 : memref<1x80x128xf32, #tpu.memory_space<vmem>> -> memref<80x128xf32, #tpu.memory_space<vmem>>
    %dma_start3A_34 = arith.constant 0 : i32
    %dma_start3A_35 = tpu.memref_slice %arg5[%dma_start3A_28, %dma_start3A_34] : memref<320x80xi32, #tpu.memory_space<vmem>> -> memref<1x80xi32, #tpu.memory_space<vmem>>
    %dma_start3A_36 = tpu.memref_squeeze %dma_start3A_35 : memref<1x80xi32, #tpu.memory_space<vmem>> -> memref<80xi32, #tpu.memory_space<vmem>>
    %dma_start3A_37 = arith.constant 0 : i32
    %dma_start3A_38 = arith.constant 0 : i32
    %dma_start3A_39 = tpu.memref_slice %arg3[%dma_start3A_37, %dma_start3A_38] : memref<100000x128xf32, #tpu.memory_space<hbm>> -> memref<100000x128xf32, #tpu.memory_space<hbm>>
    tpu.enqueue_indirect_dma source(%dma_start3A_39 : memref<100000x128xf32, #tpu.memory_space<hbm>>) target(%dma_start3A_33 : memref<80x128xf32, #tpu.memory_space<vmem>>) offsets(%dma_start3A_36 : memref<80xi32, #tpu.memory_space<vmem>>) semaphore(%arg10 : memref<!tpu.dma_semaphore, #tpu.memory_space<semaphore_mem>>)
    %dma_start3A_40 = arith.constant 3 : i32
    %dma_start3A_41 = arith.constant 3 : i32
    %dma_start3A_42 = arith.constant 0 : i32
    %dma_start3A_43 = arith.constant 0 : i32
    %dma_start3A_44 = tpu.memref_slice %arg6[%dma_start3A_41, %dma_start3A_42, %dma_start3A_43] : memref<4x80x128xf32, #tpu.memory_space<vmem>> -> memref<1x80x128xf32, #tpu.memory_space<vmem>>
    %dma_start3A_45 = tpu.memref_squeeze %dma_start3A_44 : memref<1x80x128xf32, #tpu.memory_space<vmem>> -> memref<80x128xf32, #tpu.memory_space<vmem>>
    %dma_start3A_46 = arith.constant 0 : i32
    %dma_start3A_47 = tpu.memref_slice %arg5[%dma_start3A_40, %dma_start3A_46] : memref<320x80xi32, #tpu.memory_space<vmem>> -> memref<1x80xi32, #tpu.memory_space<vmem>>
    %dma_start3A_48 = tpu.memref_squeeze %dma_start3A_47 : memref<1x80xi32, #tpu.memory_space<vmem>> -> memref<80xi32, #tpu.memory_space<vmem>>
    %dma_start3A_49 = arith.constant 0 : i32
    %dma_start3A_50 = arith.constant 0 : i32
    %dma_start3A_51 = tpu.memref_slice %arg3[%dma_start3A_49, %dma_start3A_50] : memref<100000x128xf32, #tpu.memory_space<hbm>> -> memref<100000x128xf32, #tpu.memory_space<hbm>>
    tpu.enqueue_indirect_dma source(%dma_start3A_51 : memref<100000x128xf32, #tpu.memory_space<hbm>>) target(%dma_start3A_45 : memref<80x128xf32, #tpu.memory_space<vmem>>) offsets(%dma_start3A_48 : memref<80xi32, #tpu.memory_space<vmem>>) semaphore(%arg11 : memref<!tpu.dma_semaphore, #tpu.memory_space<semaphore_mem>>)
    %dma_wait3A = arith.constant 0 : i32
    %dma_wait3A_52 = arith.constant 0 : i32
    %dma_wait3A_53 = arith.constant 0 : i32
    %dma_wait3A_54 = arith.constant 0 : i32
    %dma_wait3A_55 = tpu.memref_slice %arg6[%dma_wait3A_52, %dma_wait3A_53, %dma_wait3A_54] : memref<4x80x128xf32, #tpu.memory_space<vmem>> -> memref<1x80x128xf32, #tpu.memory_space<vmem>>
    %dma_wait3A_56 = tpu.memref_squeeze %dma_wait3A_55 : memref<1x80x128xf32, #tpu.memory_space<vmem>> -> memref<80x128xf32, #tpu.memory_space<vmem>>
    %dma_wait3A_57 = arith.constant 0 : i32
    %dma_wait3A_58 = tpu.memref_slice %arg5[%dma_wait3A, %dma_wait3A_57] : memref<320x80xi32, #tpu.memory_space<vmem>> -> memref<1x80xi32, #tpu.memory_space<vmem>>
    %dma_wait3A_59 = tpu.memref_squeeze %dma_wait3A_58 : memref<1x80xi32, #tpu.memory_space<vmem>> -> memref<80xi32, #tpu.memory_space<vmem>>
    %dma_wait3A_60 = arith.constant 0 : i32
    %dma_wait3A_61 = arith.constant 0 : i32
    %dma_wait3A_62 = tpu.memref_slice %arg3[%dma_wait3A_60, %dma_wait3A_61] : memref<100000x128xf32, #tpu.memory_space<hbm>> -> memref<100000x128xf32, #tpu.memory_space<hbm>>
    tpu.wait_indirect_dma semaphore(%arg8 : memref<!tpu.dma_semaphore, #tpu.memory_space<semaphore_mem>>) src(%dma_wait3A_62 : memref<100000x128xf32, #tpu.memory_space<hbm>>) dst(%dma_wait3A_56 : memref<80x128xf32, #tpu.memory_space<vmem>>)
    %dma_start3A_63 = arith.constant 0 : i32
    %dma_start3A_64 = arith.constant 0 : i32
    %dma_start3A_65 = arith.constant 0 : i32
    %dma_start3A_66 = arith.constant 0 : i32
    %dma_start3A_67 = tpu.memref_slice %arg6[%dma_start3A_63, %dma_start3A_65, %dma_start3A_66] : memref<4x80x128xf32, #tpu.memory_space<vmem>> -> memref<1x80x128xf32, #tpu.memory_space<vmem>>
    %dma_start3A_68 = tpu.memref_squeeze %dma_start3A_67 : memref<1x80x128xf32, #tpu.memory_space<vmem>> -> memref<80x128xf32, #tpu.memory_space<vmem>>
    %dma_start3A_69 = arith.constant 0 : i32
    %dma_start3A_70 = arith.constant 0 : i32
    %dma_start3A_71 = tpu.memref_slice %arg7[%arg1, %dma_start3A_64, %dma_start3A_69, %dma_start3A_70] : memref<16x4x80x128xf32, #tpu.memory_space<vmem_shared>> -> memref<1x1x80x128xf32, #tpu.memory_space<vmem_shared>>
    %dma_start3A_72 = tpu.memref_squeeze %dma_start3A_71 : memref<1x1x80x128xf32, #tpu.memory_space<vmem_shared>> -> memref<80x128xf32, #tpu.memory_space<vmem_shared>>
    %dma_start3A_73 = arith.constant 0 : i32
    %dma_start3A_74 = arith.constant 0 : i32
    %dma_start3A_75 = tpu.memref_slice %arg7[%arg1, %dma_start3A_64, %dma_start3A_73, %dma_start3A_74] : memref<16x4x80x128xf32, #tpu.memory_space<vmem_shared>> -> memref<1x1x80x128xf32, #tpu.memory_space<vmem_shared>>
    %dma_start3A_76 = tpu.memref_squeeze %dma_start3A_75 : memref<1x1x80x128xf32, #tpu.memory_space<vmem_shared>> -> memref<80x128xf32, #tpu.memory_space<vmem_shared>>
    %dma_start3A_77 = arith.constant 0 : i32
    %dma_start3A_78 = arith.constant 0 : i32
    %dma_start3A_79 = tpu.memref_slice %arg6[%dma_start3A_63, %dma_start3A_77, %dma_start3A_78] : memref<4x80x128xf32, #tpu.memory_space<vmem>> -> memref<1x80x128xf32, #tpu.memory_space<vmem>>
    %dma_start3A_80 = tpu.memref_squeeze %dma_start3A_79 : memref<1x80x128xf32, #tpu.memory_space<vmem>> -> memref<80x128xf32, #tpu.memory_space<vmem>>
    tpu.enqueue_dma source(%dma_start3A_80 : memref<80x128xf32, #tpu.memory_space<vmem>>) target(%dma_start3A_76 : memref<80x128xf32, #tpu.memory_space<vmem_shared>>) target_semaphore(%arg12 : memref<!tpu.dma_semaphore, #tpu.memory_space<semaphore_mem>>)
    %dma_wait3A_81 = arith.constant 0 : i32
    %dma_wait3A_82 = arith.constant 0 : i32
    %dma_wait3A_83 = arith.constant 0 : i32
    %dma_wait3A_84 = arith.constant 0 : i32
    %dma_wait3A_85 = tpu.memref_slice %arg6[%dma_wait3A_81, %dma_wait3A_83, %dma_wait3A_84] : memref<4x80x128xf32, #tpu.memory_space<vmem>> -> memref<1x80x128xf32, #tpu.memory_space<vmem>>
    %dma_wait3A_86 = tpu.memref_squeeze %dma_wait3A_85 : memref<1x80x128xf32, #tpu.memory_space<vmem>> -> memref<80x128xf32, #tpu.memory_space<vmem>>
    %dma_wait3A_87 = arith.constant 0 : i32
    %dma_wait3A_88 = arith.constant 0 : i32
    %dma_wait3A_89 = tpu.memref_slice %arg7[%arg1, %dma_wait3A_82, %dma_wait3A_87, %dma_wait3A_88] : memref<16x4x80x128xf32, #tpu.memory_space<vmem_shared>> -> memref<1x1x80x128xf32, #tpu.memory_space<vmem_shared>>
    %dma_wait3A_90 = tpu.memref_squeeze %dma_wait3A_89 : memref<1x1x80x128xf32, #tpu.memory_space<vmem_shared>> -> memref<80x128xf32, #tpu.memory_space<vmem_shared>>
    %dma_wait3A_91 = arith.constant 0 : i32
    %dma_wait3A_92 = arith.constant 0 : i32
    %dma_wait3A_93 = tpu.memref_slice %arg7[%arg1, %dma_wait3A_82, %dma_wait3A_91, %dma_wait3A_92] : memref<16x4x80x128xf32, #tpu.memory_space<vmem_shared>> -> memref<1x1x80x128xf32, #tpu.memory_space<vmem_shared>>
    %dma_wait3A_94 = tpu.memref_squeeze %dma_wait3A_93 : memref<1x1x80x128xf32, #tpu.memory_space<vmem_shared>> -> memref<80x128xf32, #tpu.memory_space<vmem_shared>>
    %dma_wait3A_95 = arith.constant 0 : i32
    %dma_wait3A_96 = arith.constant 0 : i32
    %dma_wait3A_97 = tpu.memref_slice %arg6[%dma_wait3A_81, %dma_wait3A_95, %dma_wait3A_96] : memref<4x80x128xf32, #tpu.memory_space<vmem>> -> memref<1x80x128xf32, #tpu.memory_space<vmem>>
    %dma_wait3A_98 = tpu.memref_squeeze %dma_wait3A_97 : memref<1x80x128xf32, #tpu.memory_space<vmem>> -> memref<80x128xf32, #tpu.memory_space<vmem>>
    tpu.wait_dma2 semaphore(%arg12 : memref<!tpu.dma_semaphore, #tpu.memory_space<semaphore_mem>>) src(%dma_wait3A_98 : memref<80x128xf32, #tpu.memory_space<vmem>>) dst(%dma_wait3A_94 : memref<80x128xf32, #tpu.memory_space<vmem_shared>>)
    %add3A_99 = arith.constant 0 : i32
    %add3A_100 = arith.addi %mul3A_2, %add3A_99 : i32
    %dma_start3A_101 = arith.constant 0 : i32
    %dma_start3A_102 = arith.constant 0 : i32
    %dma_start3A_103 = tpu.memref_slice %arg4[%add3A_100, %dma_start3A_102] : memref<819200x128xf32, #tpu.memory_space<hbm>> -> memref<80x128xf32, #tpu.memory_space<hbm>>
    %dma_start3A_104 = arith.constant 0 : i32
    %dma_start3A_105 = arith.constant 0 : i32
    %dma_start3A_106 = tpu.memref_slice %arg7[%arg1, %dma_start3A_101, %dma_start3A_104, %dma_start3A_105] : memref<16x4x80x128xf32, #tpu.memory_space<vmem_shared>> -> memref<1x1x80x128xf32, #tpu.memory_space<vmem_shared>>
    %dma_start3A_107 = tpu.memref_squeeze %dma_start3A_106 : memref<1x1x80x128xf32, #tpu.memory_space<vmem_shared>> -> memref<80x128xf32, #tpu.memory_space<vmem_shared>>
    tpu.enqueue_dma source(%dma_start3A_107 : memref<80x128xf32, #tpu.memory_space<vmem_shared>>) target(%dma_start3A_103 : memref<80x128xf32, #tpu.memory_space<hbm>>) target_semaphore(%arg16 : memref<!tpu.dma_semaphore, #tpu.memory_space<semaphore_mem>>)
    %dma_start3A_108 = arith.constant 4 : i32
    %dma_start3A_109 = arith.constant 0 : i32
    %dma_start3A_110 = arith.constant 0 : i32
    %dma_start3A_111 = arith.constant 0 : i32
    %dma_start3A_112 = tpu.memref_slice %arg6[%dma_start3A_109, %dma_start3A_110, %dma_start3A_111] : memref<4x80x128xf32, #tpu.memory_space<vmem>> -> memref<1x80x128xf32, #tpu.memory_space<vmem>>
    %dma_start3A_113 = tpu.memref_squeeze %dma_start3A_112 : memref<1x80x128xf32, #tpu.memory_space<vmem>> -> memref<80x128xf32, #tpu.memory_space<vmem>>
    %dma_start3A_114 = arith.constant 0 : i32
    %dma_start3A_115 = tpu.memref_slice %arg5[%dma_start3A_108, %dma_start3A_114] : memref<320x80xi32, #tpu.memory_space<vmem>> -> memref<1x80xi32, #tpu.memory_space<vmem>>
    %dma_start3A_116 = tpu.memref_squeeze %dma_start3A_115 : memref<1x80xi32, #tpu.memory_space<vmem>> -> memref<80xi32, #tpu.memory_space<vmem>>
    %dma_start3A_117 = arith.constant 0 : i32
    %dma_start3A_118 = arith.constant 0 : i32
    %dma_start3A_119 = tpu.memref_slice %arg3[%dma_start3A_117, %dma_start3A_118] : memref<100000x128xf32, #tpu.memory_space<hbm>> -> memref<100000x128xf32, #tpu.memory_space<hbm>>
    tpu.enqueue_indirect_dma source(%dma_start3A_119 : memref<100000x128xf32, #tpu.memory_space<hbm>>) target(%dma_start3A_113 : memref<80x128xf32, #tpu.memory_space<vmem>>) offsets(%dma_start3A_116 : memref<80xi32, #tpu.memory_space<vmem>>) semaphore(%arg8 : memref<!tpu.dma_semaphore, #tpu.memory_space<semaphore_mem>>)
    %dma_wait3A_120 = arith.constant 1 : i32
    %dma_wait3A_121 = arith.constant 1 : i32
    %dma_wait3A_122 = arith.constant 0 : i32
    %dma_wait3A_123 = arith.constant 0 : i32
    %dma_wait3A_124 = tpu.memref_slice %arg6[%dma_wait3A_121, %dma_wait3A_122, %dma_wait3A_123] : memref<4x80x128xf32, #tpu.memory_space<vmem>> -> memref<1x80x128xf32, #tpu.memory_space<vmem>>
    %dma_wait3A_125 = tpu.memref_squeeze %dma_wait3A_124 : memref<1x80x128xf32, #tpu.memory_space<vmem>> -> memref<80x128xf32, #tpu.memory_space<vmem>>
    %dma_wait3A_126 = arith.constant 0 : i32
    %dma_wait3A_127 = tpu.memref_slice %arg5[%dma_wait3A_120, %dma_wait3A_126] : memref<320x80xi32, #tpu.memory_space<vmem>> -> memref<1x80xi32, #tpu.memory_space<vmem>>
    %dma_wait3A_128 = tpu.memref_squeeze %dma_wait3A_127 : memref<1x80xi32, #tpu.memory_space<vmem>> -> memref<80xi32, #tpu.memory_space<vmem>>
    %dma_wait3A_129 = arith.constant 0 : i32
    %dma_wait3A_130 = arith.constant 0 : i32
    %dma_wait3A_131 = tpu.memref_slice %arg3[%dma_wait3A_129, %dma_wait3A_130] : memref<100000x128xf32, #tpu.memory_space<hbm>> -> memref<100000x128xf32, #tpu.memory_space<hbm>>
    tpu.wait_indirect_dma semaphore(%arg9 : memref<!tpu.dma_semaphore, #tpu.memory_space<semaphore_mem>>) src(%dma_wait3A_131 : memref<100000x128xf32, #tpu.memory_space<hbm>>) dst(%dma_wait3A_125 : memref<80x128xf32, #tpu.memory_space<vmem>>)
    %dma_start3A_132 = arith.constant 1 : i32
    %dma_start3A_133 = arith.constant 1 : i32
    %dma_start3A_134 = arith.constant 0 : i32
    %dma_start3A_135 = arith.constant 0 : i32
    %dma_start3A_136 = tpu.memref_slice %arg6[%dma_start3A_132, %dma_start3A_134, %dma_start3A_135] : memref<4x80x128xf32, #tpu.memory_space<vmem>> -> memref<1x80x128xf32, #tpu.memory_space<vmem>>
    %dma_start3A_137 = tpu.memref_squeeze %dma_start3A_136 : memref<1x80x128xf32, #tpu.memory_space<vmem>> -> memref<80x128xf32, #tpu.memory_space<vmem>>
    %dma_start3A_138 = arith.constant 0 : i32
    %dma_start3A_139 = arith.constant 0 : i32
    %dma_start3A_140 = tpu.memref_slice %arg7[%arg1, %dma_start3A_133, %dma_start3A_138, %dma_start3A_139] : memref<16x4x80x128xf32, #tpu.memory_space<vmem_shared>> -> memref<1x1x80x128xf32, #tpu.memory_space<vmem_shared>>
    %dma_start3A_141 = tpu.memref_squeeze %dma_start3A_140 : memref<1x1x80x128xf32, #tpu.memory_space<vmem_shared>> -> memref<80x128xf32, #tpu.memory_space<vmem_shared>>
    %dma_start3A_142 = arith.constant 0 : i32
    %dma_start3A_143 = arith.constant 0 : i32
    %dma_start3A_144 = tpu.memref_slice %arg7[%arg1, %dma_start3A_133, %dma_start3A_142, %dma_start3A_143] : memref<16x4x80x128xf32, #tpu.memory_space<vmem_shared>> -> memref<1x1x80x128xf32, #tpu.memory_space<vmem_shared>>
    %dma_start3A_145 = tpu.memref_squeeze %dma_start3A_144 : memref<1x1x80x128xf32, #tpu.memory_space<vmem_shared>> -> memref<80x128xf32, #tpu.memory_space<vmem_shared>>
    %dma_start3A_146 = arith.constant 0 : i32
    %dma_start3A_147 = arith.constant 0 : i32
    %dma_start3A_148 = tpu.memref_slice %arg6[%dma_start3A_132, %dma_start3A_146, %dma_start3A_147] : memref<4x80x128xf32, #tpu.memory_space<vmem>> -> memref<1x80x128xf32, #tpu.memory_space<vmem>>
    %dma_start3A_149 = tpu.memref_squeeze %dma_start3A_148 : memref<1x80x128xf32, #tpu.memory_space<vmem>> -> memref<80x128xf32, #tpu.memory_space<vmem>>
    tpu.enqueue_dma source(%dma_start3A_149 : memref<80x128xf32, #tpu.memory_space<vmem>>) target(%dma_start3A_145 : memref<80x128xf32, #tpu.memory_space<vmem_shared>>) target_semaphore(%arg13 : memref<!tpu.dma_semaphore, #tpu.memory_space<semaphore_mem>>)
    %dma_wait3A_150 = arith.constant 1 : i32
    %dma_wait3A_151 = arith.constant 1 : i32
    %dma_wait3A_152 = arith.constant 0 : i32
    %dma_wait3A_153 = arith.constant 0 : i32
    %dma_wait3A_154 = tpu.memref_slice %arg6[%dma_wait3A_150, %dma_wait3A_152, %dma_wait3A_153] : memref<4x80x128xf32, #tpu.memory_space<vmem>> -> memref<1x80x128xf32, #tpu.memory_space<vmem>>
    %dma_wait3A_155 = tpu.memref_squeeze %dma_wait3A_154 : memref<1x80x128xf32, #tpu.memory_space<vmem>> -> memref<80x128xf32, #tpu.memory_space<vmem>>
    %dma_wait3A_156 = arith.constant 0 : i32
    %dma_wait3A_157 = arith.constant 0 : i32
    %dma_wait3A_158 = tpu.memref_slice %arg7[%arg1, %dma_wait3A_151, %dma_wait3A_156, %dma_wait3A_157] : memref<16x4x80x128xf32, #tpu.memory_space<vmem_shared>> -> memref<1x1x80x128xf32, #tpu.memory_space<vmem_shared>>
    %dma_wait3A_159 = tpu.memref_squeeze %dma_wait3A_158 : memref<1x1x80x128xf32, #tpu.memory_space<vmem_shared>> -> memref<80x128xf32, #tpu.memory_space<vmem_shared>>
    %dma_wait3A_160 = arith.constant 0 : i32
    %dma_wait3A_161 = arith.constant 0 : i32
    %dma_wait3A_162 = tpu.memref_slice %arg7[%arg1, %dma_wait3A_151, %dma_wait3A_160, %dma_wait3A_161] : memref<16x4x80x128xf32, #tpu.memory_space<vmem_shared>> -> memref<1x1x80x128xf32, #tpu.memory_space<vmem_shared>>
    %dma_wait3A_163 = tpu.memref_squeeze %dma_wait3A_162 : memref<1x1x80x128xf32, #tpu.memory_space<vmem_shared>> -> memref<80x128xf32, #tpu.memory_space<vmem_shared>>
    %dma_wait3A_164 = arith.constant 0 : i32
    %dma_wait3A_165 = arith.constant 0 : i32
    %dma_wait3A_166 = tpu.memref_slice %arg6[%dma_wait3A_150, %dma_wait3A_164, %dma_wait3A_165] : memref<4x80x128xf32, #tpu.memory_space<vmem>> -> memref<1x80x128xf32, #tpu.memory_space<vmem>>
    %dma_wait3A_167 = tpu.memref_squeeze %dma_wait3A_166 : memref<1x80x128xf32, #tpu.memory_space<vmem>> -> memref<80x128xf32, #tpu.memory_space<vmem>>
    tpu.wait_dma2 semaphore(%arg13 : memref<!tpu.dma_semaphore, #tpu.memory_space<semaphore_mem>>) src(%dma_wait3A_167 : memref<80x128xf32, #tpu.memory_space<vmem>>) dst(%dma_wait3A_163 : memref<80x128xf32, #tpu.memory_space<vmem_shared>>)
    %add3A_168 = arith.constant 80 : i32
    %add3A_169 = arith.addi %mul3A_2, %add3A_168 : i32
    %dma_start3A_170 = arith.constant 1 : i32
    %dma_start3A_171 = arith.constant 0 : i32
    %dma_start3A_172 = tpu.memref_slice %arg4[%add3A_169, %dma_start3A_171] : memref<819200x128xf32, #tpu.memory_space<hbm>> -> memref<80x128xf32, #tpu.memory_space<hbm>>
    %dma_start3A_173 = arith.constant 0 : i32
    %dma_start3A_174 = arith.constant 0 : i32
    %dma_start3A_175 = tpu.memref_slice %arg7[%arg1, %dma_start3A_170, %dma_start3A_173, %dma_start3A_174] : memref<16x4x80x128xf32, #tpu.memory_space<vmem_shared>> -> memref<1x1x80x128xf32, #tpu.memory_space<vmem_shared>>
    %dma_start3A_176 = tpu.memref_squeeze %dma_start3A_175 : memref<1x1x80x128xf32, #tpu.memory_space<vmem_shared>> -> memref<80x128xf32, #tpu.memory_space<vmem_shared>>
    tpu.enqueue_dma source(%dma_start3A_176 : memref<80x128xf32, #tpu.memory_space<vmem_shared>>) target(%dma_start3A_172 : memref<80x128xf32, #tpu.memory_space<hbm>>) target_semaphore(%arg17 : memref<!tpu.dma_semaphore, #tpu.memory_space<semaphore_mem>>)
    %dma_start3A_177 = arith.constant 5 : i32
    %dma_start3A_178 = arith.constant 1 : i32
    %dma_start3A_179 = arith.constant 0 : i32
    %dma_start3A_180 = arith.constant 0 : i32
    %dma_start3A_181 = tpu.memref_slice %arg6[%dma_start3A_178, %dma_start3A_179, %dma_start3A_180] : memref<4x80x128xf32, #tpu.memory_space<vmem>> -> memref<1x80x128xf32, #tpu.memory_space<vmem>>
    %dma_start3A_182 = tpu.memref_squeeze %dma_start3A_181 : memref<1x80x128xf32, #tpu.memory_space<vmem>> -> memref<80x128xf32, #tpu.memory_space<vmem>>
    %dma_start3A_183 = arith.constant 0 : i32
    %dma_start3A_184 = tpu.memref_slice %arg5[%dma_start3A_177, %dma_start3A_183] : memref<320x80xi32, #tpu.memory_space<vmem>> -> memref<1x80xi32, #tpu.memory_space<vmem>>
    %dma_start3A_185 = tpu.memref_squeeze %dma_start3A_184 : memref<1x80xi32, #tpu.memory_space<vmem>> -> memref<80xi32, #tpu.memory_space<vmem>>
    %dma_start3A_186 = arith.constant 0 : i32
    %dma_start3A_187 = arith.constant 0 : i32
    %dma_start3A_188 = tpu.memref_slice %arg3[%dma_start3A_186, %dma_start3A_187] : memref<100000x128xf32, #tpu.memory_space<hbm>> -> memref<100000x128xf32, #tpu.memory_space<hbm>>
    tpu.enqueue_indirect_dma source(%dma_start3A_188 : memref<100000x128xf32, #tpu.memory_space<hbm>>) target(%dma_start3A_182 : memref<80x128xf32, #tpu.memory_space<vmem>>) offsets(%dma_start3A_185 : memref<80xi32, #tpu.memory_space<vmem>>) semaphore(%arg9 : memref<!tpu.dma_semaphore, #tpu.memory_space<semaphore_mem>>)
    %dma_wait3A_189 = arith.constant 2 : i32
    %dma_wait3A_190 = arith.constant 2 : i32
    %dma_wait3A_191 = arith.constant 0 : i32
    %dma_wait3A_192 = arith.constant 0 : i32
    %dma_wait3A_193 = tpu.memref_slice %arg6[%dma_wait3A_190, %dma_wait3A_191, %dma_wait3A_192] : memref<4x80x128xf32, #tpu.memory_space<vmem>> -> memref<1x80x128xf32, #tpu.memory_space<vmem>>
    %dma_wait3A_194 = tpu.memref_squeeze %dma_wait3A_193 : memref<1x80x128xf32, #tpu.memory_space<vmem>> -> memref<80x128xf32, #tpu.memory_space<vmem>>
    %dma_wait3A_195 = arith.constant 0 : i32
    %dma_wait3A_196 = tpu.memref_slice %arg5[%dma_wait3A_189, %dma_wait3A_195] : memref<320x80xi32, #tpu.memory_space<vmem>> -> memref<1x80xi32, #tpu.memory_space<vmem>>
    %dma_wait3A_197 = tpu.memref_squeeze %dma_wait3A_196 : memref<1x80xi32, #tpu.memory_space<vmem>> -> memref<80xi32, #tpu.memory_space<vmem>>
    %dma_wait3A_198 = arith.constant 0 : i32
    %dma_wait3A_199 = arith.constant 0 : i32
    %dma_wait3A_200 = tpu.memref_slice %arg3[%dma_wait3A_198, %dma_wait3A_199] : memref<100000x128xf32, #tpu.memory_space<hbm>> -> memref<100000x128xf32, #tpu.memory_space<hbm>>
    tpu.wait_indirect_dma semaphore(%arg10 : memref<!tpu.dma_semaphore, #tpu.memory_space<semaphore_mem>>) src(%dma_wait3A_200 : memref<100000x128xf32, #tpu.memory_space<hbm>>) dst(%dma_wait3A_194 : memref<80x128xf32, #tpu.memory_space<vmem>>)
    %dma_start3A_201 = arith.constant 2 : i32
    %dma_start3A_202 = arith.constant 2 : i32
    %dma_start3A_203 = arith.constant 0 : i32
    %dma_start3A_204 = arith.constant 0 : i32
    %dma_start3A_205 = tpu.memref_slice %arg6[%dma_start3A_201, %dma_start3A_203, %dma_start3A_204] : memref<4x80x128xf32, #tpu.memory_space<vmem>> -> memref<1x80x128xf32, #tpu.memory_space<vmem>>
    %dma_start3A_206 = tpu.memref_squeeze %dma_start3A_205 : memref<1x80x128xf32, #tpu.memory_space<vmem>> -> memref<80x128xf32, #tpu.memory_space<vmem>>
    %dma_start3A_207 = arith.constant 0 : i32
    %dma_start3A_208 = arith.constant 0 : i32
    %dma_start3A_209 = tpu.memref_slice %arg7[%arg1, %dma_start3A_202, %dma_start3A_207, %dma_start3A_208] : memref<16x4x80x128xf32, #tpu.memory_space<vmem_shared>> -> memref<1x1x80x128xf32, #tpu.memory_space<vmem_shared>>
    %dma_start3A_210 = tpu.memref_squeeze %dma_start3A_209 : memref<1x1x80x128xf32, #tpu.memory_space<vmem_shared>> -> memref<80x128xf32, #tpu.memory_space<vmem_shared>>
    %dma_start3A_211 = arith.constant 0 : i32
    %dma_start3A_212 = arith.constant 0 : i32
    %dma_start3A_213 = tpu.memref_slice %arg7[%arg1, %dma_start3A_202, %dma_start3A_211, %dma_start3A_212] : memref<16x4x80x128xf32, #tpu.memory_space<vmem_shared>> -> memref<1x1x80x128xf32, #tpu.memory_space<vmem_shared>>
    %dma_start3A_214 = tpu.memref_squeeze %dma_start3A_213 : memref<1x1x80x128xf32, #tpu.memory_space<vmem_shared>> -> memref<80x128xf32, #tpu.memory_space<vmem_shared>>
    %dma_start3A_215 = arith.constant 0 : i32
    %dma_start3A_216 = arith.constant 0 : i32
    %dma_start3A_217 = tpu.memref_slice %arg6[%dma_start3A_201, %dma_start3A_215, %dma_start3A_216] : memref<4x80x128xf32, #tpu.memory_space<vmem>> -> memref<1x80x128xf32, #tpu.memory_space<vmem>>
    %dma_start3A_218 = tpu.memref_squeeze %dma_start3A_217 : memref<1x80x128xf32, #tpu.memory_space<vmem>> -> memref<80x128xf32, #tpu.memory_space<vmem>>
    tpu.enqueue_dma source(%dma_start3A_218 : memref<80x128xf32, #tpu.memory_space<vmem>>) target(%dma_start3A_214 : memref<80x128xf32, #tpu.memory_space<vmem_shared>>) target_semaphore(%arg14 : memref<!tpu.dma_semaphore, #tpu.memory_space<semaphore_mem>>)
    %dma_wait3A_219 = arith.constant 2 : i32
    %dma_wait3A_220 = arith.constant 2 : i32
    %dma_wait3A_221 = arith.constant 0 : i32
    %dma_wait3A_222 = arith.constant 0 : i32
    %dma_wait3A_223 = tpu.memref_slice %arg6[%dma_wait3A_219, %dma_wait3A_221, %dma_wait3A_222] : memref<4x80x128xf32, #tpu.memory_space<vmem>> -> memref<1x80x128xf32, #tpu.memory_space<vmem>>
    %dma_wait3A_224 = tpu.memref_squeeze %dma_wait3A_223 : memref<1x80x128xf32, #tpu.memory_space<vmem>> -> memref<80x128xf32, #tpu.memory_space<vmem>>
    %dma_wait3A_225 = arith.constant 0 : i32
    %dma_wait3A_226 = arith.constant 0 : i32
    %dma_wait3A_227 = tpu.memref_slice %arg7[%arg1, %dma_wait3A_220, %dma_wait3A_225, %dma_wait3A_226] : memref<16x4x80x128xf32, #tpu.memory_space<vmem_shared>> -> memref<1x1x80x128xf32, #tpu.memory_space<vmem_shared>>
    %dma_wait3A_228 = tpu.memref_squeeze %dma_wait3A_227 : memref<1x1x80x128xf32, #tpu.memory_space<vmem_shared>> -> memref<80x128xf32, #tpu.memory_space<vmem_shared>>
    %dma_wait3A_229 = arith.constant 0 : i32
    %dma_wait3A_230 = arith.constant 0 : i32
    %dma_wait3A_231 = tpu.memref_slice %arg7[%arg1, %dma_wait3A_220, %dma_wait3A_229, %dma_wait3A_230] : memref<16x4x80x128xf32, #tpu.memory_space<vmem_shared>> -> memref<1x1x80x128xf32, #tpu.memory_space<vmem_shared>>
    %dma_wait3A_232 = tpu.memref_squeeze %dma_wait3A_231 : memref<1x1x80x128xf32, #tpu.memory_space<vmem_shared>> -> memref<80x128xf32, #tpu.memory_space<vmem_shared>>
    %dma_wait3A_233 = arith.constant 0 : i32
    %dma_wait3A_234 = arith.constant 0 : i32
    %dma_wait3A_235 = tpu.memref_slice %arg6[%dma_wait3A_219, %dma_wait3A_233, %dma_wait3A_234] : memref<4x80x128xf32, #tpu.memory_space<vmem>> -> memref<1x80x128xf32, #tpu.memory_space<vmem>>
    %dma_wait3A_236 = tpu.memref_squeeze %dma_wait3A_235 : memref<1x80x128xf32, #tpu.memory_space<vmem>> -> memref<80x128xf32, #tpu.memory_space<vmem>>
    tpu.wait_dma2 semaphore(%arg14 : memref<!tpu.dma_semaphore, #tpu.memory_space<semaphore_mem>>) src(%dma_wait3A_236 : memref<80x128xf32, #tpu.memory_space<vmem>>) dst(%dma_wait3A_232 : memref<80x128xf32, #tpu.memory_space<vmem_shared>>)
    %add3A_237 = arith.constant 160 : i32
    %add3A_238 = arith.addi %mul3A_2, %add3A_237 : i32
    %dma_start3A_239 = arith.constant 2 : i32
    %dma_start3A_240 = arith.constant 0 : i32
    %dma_start3A_241 = tpu.memref_slice %arg4[%add3A_238, %dma_start3A_240] : memref<819200x128xf32, #tpu.memory_space<hbm>> -> memref<80x128xf32, #tpu.memory_space<hbm>>
    %dma_start3A_242 = arith.constant 0 : i32
    %dma_start3A_243 = arith.constant 0 : i32
    %dma_start3A_244 = tpu.memref_slice %arg7[%arg1, %dma_start3A_239, %dma_start3A_242, %dma_start3A_243] : memref<16x4x80x128xf32, #tpu.memory_space<vmem_shared>> -> memref<1x1x80x128xf32, #tpu.memory_space<vmem_shared>>
    %dma_start3A_245 = tpu.memref_squeeze %dma_start3A_244 : memref<1x1x80x128xf32, #tpu.memory_space<vmem_shared>> -> memref<80x128xf32, #tpu.memory_space<vmem_shared>>
    tpu.enqueue_dma source(%dma_start3A_245 : memref<80x128xf32, #tpu.memory_space<vmem_shared>>) target(%dma_start3A_241 : memref<80x128xf32, #tpu.memory_space<hbm>>) target_semaphore(%arg18 : memref<!tpu.dma_semaphore, #tpu.memory_space<semaphore_mem>>)
    %dma_start3A_246 = arith.constant 6 : i32
    %dma_start3A_247 = arith.constant 2 : i32
    %dma_start3A_248 = arith.constant 0 : i32
    %dma_start3A_249 = arith.constant 0 : i32
    %dma_start3A_250 = tpu.memref_slice %arg6[%dma_start3A_247, %dma_start3A_248, %dma_start3A_249] : memref<4x80x128xf32, #tpu.memory_space<vmem>> -> memref<1x80x128xf32, #tpu.memory_space<vmem>>
    %dma_start3A_251 = tpu.memref_squeeze %dma_start3A_250 : memref<1x80x128xf32, #tpu.memory_space<vmem>> -> memref<80x128xf32, #tpu.memory_space<vmem>>
    %dma_start3A_252 = arith.constant 0 : i32
    %dma_start3A_253 = tpu.memref_slice %arg5[%dma_start3A_246, %dma_start3A_252] : memref<320x80xi32, #tpu.memory_space<vmem>> -> memref<1x80xi32, #tpu.memory_space<vmem>>
    %dma_start3A_254 = tpu.memref_squeeze %dma_start3A_253 : memref<1x80xi32, #tpu.memory_space<vmem>> -> memref<80xi32, #tpu.memory_space<vmem>>
    %dma_start3A_255 = arith.constant 0 : i32
    %dma_start3A_256 = arith.constant 0 : i32
    %dma_start3A_257 = tpu.memref_slice %arg3[%dma_start3A_255, %dma_start3A_256] : memref<100000x128xf32, #tpu.memory_space<hbm>> -> memref<100000x128xf32, #tpu.memory_space<hbm>>
    tpu.enqueue_indirect_dma source(%dma_start3A_257 : memref<100000x128xf32, #tpu.memory_space<hbm>>) target(%dma_start3A_251 : memref<80x128xf32, #tpu.memory_space<vmem>>) offsets(%dma_start3A_254 : memref<80xi32, #tpu.memory_space<vmem>>) semaphore(%arg10 : memref<!tpu.dma_semaphore, #tpu.memory_space<semaphore_mem>>)
    %dma_wait3A_258 = arith.constant 3 : i32
    %dma_wait3A_259 = arith.constant 3 : i32
    %dma_wait3A_260 = arith.constant 0 : i32
    %dma_wait3A_261 = arith.constant 0 : i32
    %dma_wait3A_262 = tpu.memref_slice %arg6[%dma_wait3A_259, %dma_wait3A_260, %dma_wait3A_261] : memref<4x80x128xf32, #tpu.memory_space<vmem>> -> memref<1x80x128xf32, #tpu.memory_space<vmem>>
    %dma_wait3A_263 = tpu.memref_squeeze %dma_wait3A_262 : memref<1x80x128xf32, #tpu.memory_space<vmem>> -> memref<80x128xf32, #tpu.memory_space<vmem>>
    %dma_wait3A_264 = arith.constant 0 : i32
    %dma_wait3A_265 = tpu.memref_slice %arg5[%dma_wait3A_258, %dma_wait3A_264] : memref<320x80xi32, #tpu.memory_space<vmem>> -> memref<1x80xi32, #tpu.memory_space<vmem>>
    %dma_wait3A_266 = tpu.memref_squeeze %dma_wait3A_265 : memref<1x80xi32, #tpu.memory_space<vmem>> -> memref<80xi32, #tpu.memory_space<vmem>>
    %dma_wait3A_267 = arith.constant 0 : i32
    %dma_wait3A_268 = arith.constant 0 : i32
    %dma_wait3A_269 = tpu.memref_slice %arg3[%dma_wait3A_267, %dma_wait3A_268] : memref<100000x128xf32, #tpu.memory_space<hbm>> -> memref<100000x128xf32, #tpu.memory_space<hbm>>
    tpu.wait_indirect_dma semaphore(%arg11 : memref<!tpu.dma_semaphore, #tpu.memory_space<semaphore_mem>>) src(%dma_wait3A_269 : memref<100000x128xf32, #tpu.memory_space<hbm>>) dst(%dma_wait3A_263 : memref<80x128xf32, #tpu.memory_space<vmem>>)
    %dma_start3A_270 = arith.constant 3 : i32
    %dma_start3A_271 = arith.constant 3 : i32
    %dma_start3A_272 = arith.constant 0 : i32
    %dma_start3A_273 = arith.constant 0 : i32
    %dma_start3A_274 = tpu.memref_slice %arg6[%dma_start3A_270, %dma_start3A_272, %dma_start3A_273] : memref<4x80x128xf32, #tpu.memory_space<vmem>> -> memref<1x80x128xf32, #tpu.memory_space<vmem>>
    %dma_start3A_275 = tpu.memref_squeeze %dma_start3A_274 : memref<1x80x128xf32, #tpu.memory_space<vmem>> -> memref<80x128xf32, #tpu.memory_space<vmem>>
    %dma_start3A_276 = arith.constant 0 : i32
    %dma_start3A_277 = arith.constant 0 : i32
    %dma_start3A_278 = tpu.memref_slice %arg7[%arg1, %dma_start3A_271, %dma_start3A_276, %dma_start3A_277] : memref<16x4x80x128xf32, #tpu.memory_space<vmem_shared>> -> memref<1x1x80x128xf32, #tpu.memory_space<vmem_shared>>
    %dma_start3A_279 = tpu.memref_squeeze %dma_start3A_278 : memref<1x1x80x128xf32, #tpu.memory_space<vmem_shared>> -> memref<80x128xf32, #tpu.memory_space<vmem_shared>>
    %dma_start3A_280 = arith.constant 0 : i32
    %dma_start3A_281 = arith.constant 0 : i32
    %dma_start3A_282 = tpu.memref_slice %arg7[%arg1, %dma_start3A_271, %dma_start3A_280, %dma_start3A_281] : memref<16x4x80x128xf32, #tpu.memory_space<vmem_shared>> -> memref<1x1x80x128xf32, #tpu.memory_space<vmem_shared>>
    %dma_start3A_283 = tpu.memref_squeeze %dma_start3A_282 : memref<1x1x80x128xf32, #tpu.memory_space<vmem_shared>> -> memref<80x128xf32, #tpu.memory_space<vmem_shared>>
    %dma_start3A_284 = arith.constant 0 : i32
    %dma_start3A_285 = arith.constant 0 : i32
    %dma_start3A_286 = tpu.memref_slice %arg6[%dma_start3A_270, %dma_start3A_284, %dma_start3A_285] : memref<4x80x128xf32, #tpu.memory_space<vmem>> -> memref<1x80x128xf32, #tpu.memory_space<vmem>>
    %dma_start3A_287 = tpu.memref_squeeze %dma_start3A_286 : memref<1x80x128xf32, #tpu.memory_space<vmem>> -> memref<80x128xf32, #tpu.memory_space<vmem>>
    tpu.enqueue_dma source(%dma_start3A_287 : memref<80x128xf32, #tpu.memory_space<vmem>>) target(%dma_start3A_283 : memref<80x128xf32, #tpu.memory_space<vmem_shared>>) target_semaphore(%arg15 : memref<!tpu.dma_semaphore, #tpu.memory_space<semaphore_mem>>)
    %dma_wait3A_288 = arith.constant 3 : i32
    %dma_wait3A_289 = arith.constant 3 : i32
    %dma_wait3A_290 = arith.constant 0 : i32
    %dma_wait3A_291 = arith.constant 0 : i32
    %dma_wait3A_292 = tpu.memref_slice %arg6[%dma_wait3A_288, %dma_wait3A_290, %dma_wait3A_291] : memref<4x80x128xf32, #tpu.memory_space<vmem>> -> memref<1x80x128xf32, #tpu.memory_space<vmem>>
    %dma_wait3A_293 = tpu.memref_squeeze %dma_wait3A_292 : memref<1x80x128xf32, #tpu.memory_space<vmem>> -> memref<80x128xf32, #tpu.memory_space<vmem>>
    %dma_wait3A_294 = arith.constant 0 : i32
    %dma_wait3A_295 = arith.constant 0 : i32
    %dma_wait3A_296 = tpu.memref_slice %arg7[%arg1, %dma_wait3A_289, %dma_wait3A_294, %dma_wait3A_295] : memref<16x4x80x128xf32, #tpu.memory_space<vmem_shared>> -> memref<1x1x80x128xf32, #tpu.memory_space<vmem_shared>>
    %dma_wait3A_297 = tpu.memref_squeeze %dma_wait3A_296 : memref<1x1x80x128xf32, #tpu.memory_space<vmem_shared>> -> memref<80x128xf32, #tpu.memory_space<vmem_shared>>
    %dma_wait3A_298 = arith.constant 0 : i32
    %dma_wait3A_299 = arith.constant 0 : i32
    %dma_wait3A_300 = tpu.memref_slice %arg7[%arg1, %dma_wait3A_289, %dma_wait3A_298, %dma_wait3A_299] : memref<16x4x80x128xf32, #tpu.memory_space<vmem_shared>> -> memref<1x1x80x128xf32, #tpu.memory_space<vmem_shared>>
    %dma_wait3A_301 = tpu.memref_squeeze %dma_wait3A_300 : memref<1x1x80x128xf32, #tpu.memory_space<vmem_shared>> -> memref<80x128xf32, #tpu.memory_space<vmem_shared>>
    %dma_wait3A_302 = arith.constant 0 : i32
    %dma_wait3A_303 = arith.constant 0 : i32
    %dma_wait3A_304 = tpu.memref_slice %arg6[%dma_wait3A_288, %dma_wait3A_302, %dma_wait3A_303] : memref<4x80x128xf32, #tpu.memory_space<vmem>> -> memref<1x80x128xf32, #tpu.memory_space<vmem>>
    %dma_wait3A_305 = tpu.memref_squeeze %dma_wait3A_304 : memref<1x80x128xf32, #tpu.memory_space<vmem>> -> memref<80x128xf32, #tpu.memory_space<vmem>>
    tpu.wait_dma2 semaphore(%arg15 : memref<!tpu.dma_semaphore, #tpu.memory_space<semaphore_mem>>) src(%dma_wait3A_305 : memref<80x128xf32, #tpu.memory_space<vmem>>) dst(%dma_wait3A_301 : memref<80x128xf32, #tpu.memory_space<vmem_shared>>)
    %add3A_306 = arith.constant 240 : i32
    %add3A_307 = arith.addi %mul3A_2, %add3A_306 : i32
    %dma_start3A_308 = arith.constant 3 : i32
    %dma_start3A_309 = arith.constant 0 : i32
    %dma_start3A_310 = tpu.memref_slice %arg4[%add3A_307, %dma_start3A_309] : memref<819200x128xf32, #tpu.memory_space<hbm>> -> memref<80x128xf32, #tpu.memory_space<hbm>>
    %dma_start3A_311 = arith.constant 0 : i32
    %dma_start3A_312 = arith.constant 0 : i32
    %dma_start3A_313 = tpu.memref_slice %arg7[%arg1, %dma_start3A_308, %dma_start3A_311, %dma_start3A_312] : memref<16x4x80x128xf32, #tpu.memory_space<vmem_shared>> -> memref<1x1x80x128xf32, #tpu.memory_space<vmem_shared>>
    %dma_start3A_314 = tpu.memref_squeeze %dma_start3A_313 : memref<1x1x80x128xf32, #tpu.memory_space<vmem_shared>> -> memref<80x128xf32, #tpu.memory_space<vmem_shared>>
    tpu.enqueue_dma source(%dma_start3A_314 : memref<80x128xf32, #tpu.memory_space<vmem_shared>>) target(%dma_start3A_310 : memref<80x128xf32, #tpu.memory_space<hbm>>) target_semaphore(%arg19 : memref<!tpu.dma_semaphore, #tpu.memory_space<semaphore_mem>>)
    %dma_start3A_315 = arith.constant 7 : i32
    %dma_start3A_316 = arith.constant 3 : i32
    %dma_start3A_317 = arith.constant 0 : i32
    %dma_start3A_318 = arith.constant 0 : i32
    %dma_start3A_319 = tpu.memref_slice %arg6[%dma_start3A_316, %dma_start3A_317, %dma_start3A_318] : memref<4x80x128xf32, #tpu.memory_space<vmem>> -> memref<1x80x128xf32, #tpu.memory_space<vmem>>
    %dma_start3A_320 = tpu.memref_squeeze %dma_start3A_319 : memref<1x80x128xf32, #tpu.memory_space<vmem>> -> memref<80x128xf32, #tpu.memory_space<vmem>>
    %dma_start3A_321 = arith.constant 0 : i32
    %dma_start3A_322 = tpu.memref_slice %arg5[%dma_start3A_315, %dma_start3A_321] : memref<320x80xi32, #tpu.memory_space<vmem>> -> memref<1x80xi32, #tpu.memory_space<vmem>>
    %dma_start3A_323 = tpu.memref_squeeze %dma_start3A_322 : memref<1x80xi32, #tpu.memory_space<vmem>> -> memref<80xi32, #tpu.memory_space<vmem>>
    %dma_start3A_324 = arith.constant 0 : i32
    %dma_start3A_325 = arith.constant 0 : i32
    %dma_start3A_326 = tpu.memref_slice %arg3[%dma_start3A_324, %dma_start3A_325] : memref<100000x128xf32, #tpu.memory_space<hbm>> -> memref<100000x128xf32, #tpu.memory_space<hbm>>
    tpu.enqueue_indirect_dma source(%dma_start3A_326 : memref<100000x128xf32, #tpu.memory_space<hbm>>) target(%dma_start3A_320 : memref<80x128xf32, #tpu.memory_space<vmem>>) offsets(%dma_start3A_323 : memref<80xi32, #tpu.memory_space<vmem>>) semaphore(%arg11 : memref<!tpu.dma_semaphore, #tpu.memory_space<semaphore_mem>>)
    %scan3A = arith.constant 1 : i32
    %scan3A_327 = arith.constant 78 : i32
    %scan3A_328 = arith.addi %scan3A, %scan3A_327 : i32
    %scan3A_329 = arith.constant 1 : i32
    scf.for %scan3A_631 = %scan3A to %scan3A_328 step %scan3A_329  : i32 {
      %mul3A_632 = arith.constant 4 : i32
      %mul3A_633 = arith.muli %scan3A_631, %mul3A_632 : i32
      %add3A_634 = arith.constant 0 : i32
      %add3A_635 = arith.addi %mul3A_633, %add3A_634 : i32
      %dma_wait3A_636 = arith.constant 0 : i32
      %dma_wait3A_637 = arith.constant 0 : i32
      %dma_wait3A_638 = arith.constant 0 : i32
      %dma_wait3A_639 = tpu.memref_slice %arg6[%dma_wait3A_636, %dma_wait3A_637, %dma_wait3A_638] : memref<4x80x128xf32, #tpu.memory_space<vmem>> -> memref<1x80x128xf32, #tpu.memory_space<vmem>>
      %dma_wait3A_640 = tpu.memref_squeeze %dma_wait3A_639 : memref<1x80x128xf32, #tpu.memory_space<vmem>> -> memref<80x128xf32, #tpu.memory_space<vmem>>
      %dma_wait3A_641 = arith.constant 0 : i32
      %dma_wait3A_642 = tpu.memref_slice %arg5[%add3A_635, %dma_wait3A_641] : memref<320x80xi32, #tpu.memory_space<vmem>> -> memref<1x80xi32, #tpu.memory_space<vmem>>
      %dma_wait3A_643 = tpu.memref_squeeze %dma_wait3A_642 : memref<1x80xi32, #tpu.memory_space<vmem>> -> memref<80xi32, #tpu.memory_space<vmem>>
      %dma_wait3A_644 = arith.constant 0 : i32
      %dma_wait3A_645 = arith.constant 0 : i32
      %dma_wait3A_646 = tpu.memref_slice %arg3[%dma_wait3A_644, %dma_wait3A_645] : memref<100000x128xf32, #tpu.memory_space<hbm>> -> memref<100000x128xf32, #tpu.memory_space<hbm>>
      tpu.wait_indirect_dma semaphore(%arg8 : memref<!tpu.dma_semaphore, #tpu.memory_space<semaphore_mem>>) src(%dma_wait3A_646 : memref<100000x128xf32, #tpu.memory_space<hbm>>) dst(%dma_wait3A_640 : memref<80x128xf32, #tpu.memory_space<vmem>>)
      %sub3A = arith.constant 4 : i32
      %sub3A_647 = arith.subi %add3A_635, %sub3A : i32
      %mul3A_648 = arith.constant 80 : i32
      %mul3A_649 = arith.muli %sub3A_647, %mul3A_648 : i32
      %add3A_650 = arith.addi %mul3A_2, %mul3A_649 : i32
      %dma_wait3A_651 = arith.constant 0 : i32
      %dma_wait3A_652 = arith.constant 0 : i32
      %dma_wait3A_653 = tpu.memref_slice %arg4[%add3A_650, %dma_wait3A_652] : memref<819200x128xf32, #tpu.memory_space<hbm>> -> memref<80x128xf32, #tpu.memory_space<hbm>>
      %dma_wait3A_654 = arith.constant 0 : i32
      %dma_wait3A_655 = arith.constant 0 : i32
      %dma_wait3A_656 = tpu.memref_slice %arg7[%arg1, %dma_wait3A_651, %dma_wait3A_654, %dma_wait3A_655] : memref<16x4x80x128xf32, #tpu.memory_space<vmem_shared>> -> memref<1x1x80x128xf32, #tpu.memory_space<vmem_shared>>
      %dma_wait3A_657 = tpu.memref_squeeze %dma_wait3A_656 : memref<1x1x80x128xf32, #tpu.memory_space<vmem_shared>> -> memref<80x128xf32, #tpu.memory_space<vmem_shared>>
      tpu.wait_dma2 semaphore(%arg16 : memref<!tpu.dma_semaphore, #tpu.memory_space<semaphore_mem>>) src(%dma_wait3A_657 : memref<80x128xf32, #tpu.memory_space<vmem_shared>>) dst(%dma_wait3A_653 : memref<80x128xf32, #tpu.memory_space<hbm>>)
      %dma_start3A_658 = arith.constant 0 : i32
      %dma_start3A_659 = arith.constant 0 : i32
      %dma_start3A_660 = arith.constant 0 : i32
      %dma_start3A_661 = arith.constant 0 : i32
      %dma_start3A_662 = tpu.memref_slice %arg6[%dma_start3A_658, %dma_start3A_660, %dma_start3A_661] : memref<4x80x128xf32, #tpu.memory_space<vmem>> -> memref<1x80x128xf32, #tpu.memory_space<vmem>>
      %dma_start3A_663 = tpu.memref_squeeze %dma_start3A_662 : memref<1x80x128xf32, #tpu.memory_space<vmem>> -> memref<80x128xf32, #tpu.memory_space<vmem>>
      %dma_start3A_664 = arith.constant 0 : i32
      %dma_start3A_665 = arith.constant 0 : i32
      %dma_start3A_666 = tpu.memref_slice %arg7[%arg1, %dma_start3A_659, %dma_start3A_664, %dma_start3A_665] : memref<16x4x80x128xf32, #tpu.memory_space<vmem_shared>> -> memref<1x1x80x128xf32, #tpu.memory_space<vmem_shared>>
      %dma_start3A_667 = tpu.memref_squeeze %dma_start3A_666 : memref<1x1x80x128xf32, #tpu.memory_space<vmem_shared>> -> memref<80x128xf32, #tpu.memory_space<vmem_shared>>
      %dma_start3A_668 = arith.constant 0 : i32
      %dma_start3A_669 = arith.constant 0 : i32
      %dma_start3A_670 = tpu.memref_slice %arg7[%arg1, %dma_start3A_659, %dma_start3A_668, %dma_start3A_669] : memref<16x4x80x128xf32, #tpu.memory_space<vmem_shared>> -> memref<1x1x80x128xf32, #tpu.memory_space<vmem_shared>>
      %dma_start3A_671 = tpu.memref_squeeze %dma_start3A_670 : memref<1x1x80x128xf32, #tpu.memory_space<vmem_shared>> -> memref<80x128xf32, #tpu.memory_space<vmem_shared>>
      %dma_start3A_672 = arith.constant 0 : i32
      %dma_start3A_673 = arith.constant 0 : i32
      %dma_start3A_674 = tpu.memref_slice %arg6[%dma_start3A_658, %dma_start3A_672, %dma_start3A_673] : memref<4x80x128xf32, #tpu.memory_space<vmem>> -> memref<1x80x128xf32, #tpu.memory_space<vmem>>
      %dma_start3A_675 = tpu.memref_squeeze %dma_start3A_674 : memref<1x80x128xf32, #tpu.memory_space<vmem>> -> memref<80x128xf32, #tpu.memory_space<vmem>>
      tpu.enqueue_dma source(%dma_start3A_675 : memref<80x128xf32, #tpu.memory_space<vmem>>) target(%dma_start3A_671 : memref<80x128xf32, #tpu.memory_space<vmem_shared>>) target_semaphore(%arg12 : memref<!tpu.dma_semaphore, #tpu.memory_space<semaphore_mem>>)
      %dma_wait3A_676 = arith.constant 0 : i32
      %dma_wait3A_677 = arith.constant 0 : i32
      %dma_wait3A_678 = arith.constant 0 : i32
      %dma_wait3A_679 = arith.constant 0 : i32
      %dma_wait3A_680 = tpu.memref_slice %arg6[%dma_wait3A_676, %dma_wait3A_678, %dma_wait3A_679] : memref<4x80x128xf32, #tpu.memory_space<vmem>> -> memref<1x80x128xf32, #tpu.memory_space<vmem>>
      %dma_wait3A_681 = tpu.memref_squeeze %dma_wait3A_680 : memref<1x80x128xf32, #tpu.memory_space<vmem>> -> memref<80x128xf32, #tpu.memory_space<vmem>>
      %dma_wait3A_682 = arith.constant 0 : i32
      %dma_wait3A_683 = arith.constant 0 : i32
      %dma_wait3A_684 = tpu.memref_slice %arg7[%arg1, %dma_wait3A_677, %dma_wait3A_682, %dma_wait3A_683] : memref<16x4x80x128xf32, #tpu.memory_space<vmem_shared>> -> memref<1x1x80x128xf32, #tpu.memory_space<vmem_shared>>
      %dma_wait3A_685 = tpu.memref_squeeze %dma_wait3A_684 : memref<1x1x80x128xf32, #tpu.memory_space<vmem_shared>> -> memref<80x128xf32, #tpu.memory_space<vmem_shared>>
      %dma_wait3A_686 = arith.constant 0 : i32
      %dma_wait3A_687 = arith.constant 0 : i32
      %dma_wait3A_688 = tpu.memref_slice %arg7[%arg1, %dma_wait3A_677, %dma_wait3A_686, %dma_wait3A_687] : memref<16x4x80x128xf32, #tpu.memory_space<vmem_shared>> -> memref<1x1x80x128xf32, #tpu.memory_space<vmem_shared>>
      %dma_wait3A_689 = tpu.memref_squeeze %dma_wait3A_688 : memref<1x1x80x128xf32, #tpu.memory_space<vmem_shared>> -> memref<80x128xf32, #tpu.memory_space<vmem_shared>>
      %dma_wait3A_690 = arith.constant 0 : i32
      %dma_wait3A_691 = arith.constant 0 : i32
      %dma_wait3A_692 = tpu.memref_slice %arg6[%dma_wait3A_676, %dma_wait3A_690, %dma_wait3A_691] : memref<4x80x128xf32, #tpu.memory_space<vmem>> -> memref<1x80x128xf32, #tpu.memory_space<vmem>>
      %dma_wait3A_693 = tpu.memref_squeeze %dma_wait3A_692 : memref<1x80x128xf32, #tpu.memory_space<vmem>> -> memref<80x128xf32, #tpu.memory_space<vmem>>
      tpu.wait_dma2 semaphore(%arg12 : memref<!tpu.dma_semaphore, #tpu.memory_space<semaphore_mem>>) src(%dma_wait3A_693 : memref<80x128xf32, #tpu.memory_space<vmem>>) dst(%dma_wait3A_689 : memref<80x128xf32, #tpu.memory_space<vmem_shared>>)
      %mul3A_694 = arith.constant 80 : i32
      %mul3A_695 = arith.muli %add3A_635, %mul3A_694 : i32
      %add3A_696 = arith.addi %mul3A_2, %mul3A_695 : i32
      %dma_start3A_697 = arith.constant 0 : i32
      %dma_start3A_698 = arith.constant 0 : i32
      %dma_start3A_699 = tpu.memref_slice %arg4[%add3A_696, %dma_start3A_698] : memref<819200x128xf32, #tpu.memory_space<hbm>> -> memref<80x128xf32, #tpu.memory_space<hbm>>
      %dma_start3A_700 = arith.constant 0 : i32
      %dma_start3A_701 = arith.constant 0 : i32
      %dma_start3A_702 = tpu.memref_slice %arg7[%arg1, %dma_start3A_697, %dma_start3A_700, %dma_start3A_701] : memref<16x4x80x128xf32, #tpu.memory_space<vmem_shared>> -> memref<1x1x80x128xf32, #tpu.memory_space<vmem_shared>>
      %dma_start3A_703 = tpu.memref_squeeze %dma_start3A_702 : memref<1x1x80x128xf32, #tpu.memory_space<vmem_shared>> -> memref<80x128xf32, #tpu.memory_space<vmem_shared>>
      tpu.enqueue_dma source(%dma_start3A_703 : memref<80x128xf32, #tpu.memory_space<vmem_shared>>) target(%dma_start3A_699 : memref<80x128xf32, #tpu.memory_space<hbm>>) target_semaphore(%arg16 : memref<!tpu.dma_semaphore, #tpu.memory_space<semaphore_mem>>)
      %add3A_704 = arith.constant 4 : i32
      %add3A_705 = arith.addi %add3A_635, %add3A_704 : i32
      %dma_start3A_706 = arith.constant 0 : i32
      %dma_start3A_707 = arith.constant 0 : i32
      %dma_start3A_708 = arith.constant 0 : i32
      %dma_start3A_709 = tpu.memref_slice %arg6[%dma_start3A_706, %dma_start3A_707, %dma_start3A_708] : memref<4x80x128xf32, #tpu.memory_space<vmem>> -> memref<1x80x128xf32, #tpu.memory_space<vmem>>
      %dma_start3A_710 = tpu.memref_squeeze %dma_start3A_709 : memref<1x80x128xf32, #tpu.memory_space<vmem>> -> memref<80x128xf32, #tpu.memory_space<vmem>>
      %dma_start3A_711 = arith.constant 0 : i32
      %dma_start3A_712 = tpu.memref_slice %arg5[%add3A_705, %dma_start3A_711] : memref<320x80xi32, #tpu.memory_space<vmem>> -> memref<1x80xi32, #tpu.memory_space<vmem>>
      %dma_start3A_713 = tpu.memref_squeeze %dma_start3A_712 : memref<1x80xi32, #tpu.memory_space<vmem>> -> memref<80xi32, #tpu.memory_space<vmem>>
      %dma_start3A_714 = arith.constant 0 : i32
      %dma_start3A_715 = arith.constant 0 : i32
      %dma_start3A_716 = tpu.memref_slice %arg3[%dma_start3A_714, %dma_start3A_715] : memref<100000x128xf32, #tpu.memory_space<hbm>> -> memref<100000x128xf32, #tpu.memory_space<hbm>>
      tpu.enqueue_indirect_dma source(%dma_start3A_716 : memref<100000x128xf32, #tpu.memory_space<hbm>>) target(%dma_start3A_710 : memref<80x128xf32, #tpu.memory_space<vmem>>) offsets(%dma_start3A_713 : memref<80xi32, #tpu.memory_space<vmem>>) semaphore(%arg8 : memref<!tpu.dma_semaphore, #tpu.memory_space<semaphore_mem>>)
      %add3A_717 = arith.constant 1 : i32
      %add3A_718 = arith.addi %mul3A_633, %add3A_717 : i32
      %dma_wait3A_719 = arith.constant 1 : i32
      %dma_wait3A_720 = arith.constant 0 : i32
      %dma_wait3A_721 = arith.constant 0 : i32
      %dma_wait3A_722 = tpu.memref_slice %arg6[%dma_wait3A_719, %dma_wait3A_720, %dma_wait3A_721] : memref<4x80x128xf32, #tpu.memory_space<vmem>> -> memref<1x80x128xf32, #tpu.memory_space<vmem>>
      %dma_wait3A_723 = tpu.memref_squeeze %dma_wait3A_722 : memref<1x80x128xf32, #tpu.memory_space<vmem>> -> memref<80x128xf32, #tpu.memory_space<vmem>>
      %dma_wait3A_724 = arith.constant 0 : i32
      %dma_wait3A_725 = tpu.memref_slice %arg5[%add3A_718, %dma_wait3A_724] : memref<320x80xi32, #tpu.memory_space<vmem>> -> memref<1x80xi32, #tpu.memory_space<vmem>>
      %dma_wait3A_726 = tpu.memref_squeeze %dma_wait3A_725 : memref<1x80xi32, #tpu.memory_space<vmem>> -> memref<80xi32, #tpu.memory_space<vmem>>
      %dma_wait3A_727 = arith.constant 0 : i32
      %dma_wait3A_728 = arith.constant 0 : i32
      %dma_wait3A_729 = tpu.memref_slice %arg3[%dma_wait3A_727, %dma_wait3A_728] : memref<100000x128xf32, #tpu.memory_space<hbm>> -> memref<100000x128xf32, #tpu.memory_space<hbm>>
      tpu.wait_indirect_dma semaphore(%arg9 : memref<!tpu.dma_semaphore, #tpu.memory_space<semaphore_mem>>) src(%dma_wait3A_729 : memref<100000x128xf32, #tpu.memory_space<hbm>>) dst(%dma_wait3A_723 : memref<80x128xf32, #tpu.memory_space<vmem>>)
      %sub3A_730 = arith.constant 4 : i32
      %sub3A_731 = arith.subi %add3A_718, %sub3A_730 : i32
      %mul3A_732 = arith.constant 80 : i32
      %mul3A_733 = arith.muli %sub3A_731, %mul3A_732 : i32
      %add3A_734 = arith.addi %mul3A_2, %mul3A_733 : i32
      %dma_wait3A_735 = arith.constant 1 : i32
      %dma_wait3A_736 = arith.constant 0 : i32
      %dma_wait3A_737 = tpu.memref_slice %arg4[%add3A_734, %dma_wait3A_736] : memref<819200x128xf32, #tpu.memory_space<hbm>> -> memref<80x128xf32, #tpu.memory_space<hbm>>
      %dma_wait3A_738 = arith.constant 0 : i32
      %dma_wait3A_739 = arith.constant 0 : i32
      %dma_wait3A_740 = tpu.memref_slice %arg7[%arg1, %dma_wait3A_735, %dma_wait3A_738, %dma_wait3A_739] : memref<16x4x80x128xf32, #tpu.memory_space<vmem_shared>> -> memref<1x1x80x128xf32, #tpu.memory_space<vmem_shared>>
      %dma_wait3A_741 = tpu.memref_squeeze %dma_wait3A_740 : memref<1x1x80x128xf32, #tpu.memory_space<vmem_shared>> -> memref<80x128xf32, #tpu.memory_space<vmem_shared>>
      tpu.wait_dma2 semaphore(%arg17 : memref<!tpu.dma_semaphore, #tpu.memory_space<semaphore_mem>>) src(%dma_wait3A_741 : memref<80x128xf32, #tpu.memory_space<vmem_shared>>) dst(%dma_wait3A_737 : memref<80x128xf32, #tpu.memory_space<hbm>>)
      %dma_start3A_742 = arith.constant 1 : i32
      %dma_start3A_743 = arith.constant 1 : i32
      %dma_start3A_744 = arith.constant 0 : i32
      %dma_start3A_745 = arith.constant 0 : i32
      %dma_start3A_746 = tpu.memref_slice %arg6[%dma_start3A_742, %dma_start3A_744, %dma_start3A_745] : memref<4x80x128xf32, #tpu.memory_space<vmem>> -> memref<1x80x128xf32, #tpu.memory_space<vmem>>
      %dma_start3A_747 = tpu.memref_squeeze %dma_start3A_746 : memref<1x80x128xf32, #tpu.memory_space<vmem>> -> memref<80x128xf32, #tpu.memory_space<vmem>>
      %dma_start3A_748 = arith.constant 0 : i32
      %dma_start3A_749 = arith.constant 0 : i32
      %dma_start3A_750 = tpu.memref_slice %arg7[%arg1, %dma_start3A_743, %dma_start3A_748, %dma_start3A_749] : memref<16x4x80x128xf32, #tpu.memory_space<vmem_shared>> -> memref<1x1x80x128xf32, #tpu.memory_space<vmem_shared>>
      %dma_start3A_751 = tpu.memref_squeeze %dma_start3A_750 : memref<1x1x80x128xf32, #tpu.memory_space<vmem_shared>> -> memref<80x128xf32, #tpu.memory_space<vmem_shared>>
      %dma_start3A_752 = arith.constant 0 : i32
      %dma_start3A_753 = arith.constant 0 : i32
      %dma_start3A_754 = tpu.memref_slice %arg7[%arg1, %dma_start3A_743, %dma_start3A_752, %dma_start3A_753] : memref<16x4x80x128xf32, #tpu.memory_space<vmem_shared>> -> memref<1x1x80x128xf32, #tpu.memory_space<vmem_shared>>
      %dma_start3A_755 = tpu.memref_squeeze %dma_start3A_754 : memref<1x1x80x128xf32, #tpu.memory_space<vmem_shared>> -> memref<80x128xf32, #tpu.memory_space<vmem_shared>>
      %dma_start3A_756 = arith.constant 0 : i32
      %dma_start3A_757 = arith.constant 0 : i32
      %dma_start3A_758 = tpu.memref_slice %arg6[%dma_start3A_742, %dma_start3A_756, %dma_start3A_757] : memref<4x80x128xf32, #tpu.memory_space<vmem>> -> memref<1x80x128xf32, #tpu.memory_space<vmem>>
      %dma_start3A_759 = tpu.memref_squeeze %dma_start3A_758 : memref<1x80x128xf32, #tpu.memory_space<vmem>> -> memref<80x128xf32, #tpu.memory_space<vmem>>
      tpu.enqueue_dma source(%dma_start3A_759 : memref<80x128xf32, #tpu.memory_space<vmem>>) target(%dma_start3A_755 : memref<80x128xf32, #tpu.memory_space<vmem_shared>>) target_semaphore(%arg13 : memref<!tpu.dma_semaphore, #tpu.memory_space<semaphore_mem>>)
      %dma_wait3A_760 = arith.constant 1 : i32
      %dma_wait3A_761 = arith.constant 1 : i32
      %dma_wait3A_762 = arith.constant 0 : i32
      %dma_wait3A_763 = arith.constant 0 : i32
      %dma_wait3A_764 = tpu.memref_slice %arg6[%dma_wait3A_760, %dma_wait3A_762, %dma_wait3A_763] : memref<4x80x128xf32, #tpu.memory_space<vmem>> -> memref<1x80x128xf32, #tpu.memory_space<vmem>>
      %dma_wait3A_765 = tpu.memref_squeeze %dma_wait3A_764 : memref<1x80x128xf32, #tpu.memory_space<vmem>> -> memref<80x128xf32, #tpu.memory_space<vmem>>
      %dma_wait3A_766 = arith.constant 0 : i32
      %dma_wait3A_767 = arith.constant 0 : i32
      %dma_wait3A_768 = tpu.memref_slice %arg7[%arg1, %dma_wait3A_761, %dma_wait3A_766, %dma_wait3A_767] : memref<16x4x80x128xf32, #tpu.memory_space<vmem_shared>> -> memref<1x1x80x128xf32, #tpu.memory_space<vmem_shared>>
      %dma_wait3A_769 = tpu.memref_squeeze %dma_wait3A_768 : memref<1x1x80x128xf32, #tpu.memory_space<vmem_shared>> -> memref<80x128xf32, #tpu.memory_space<vmem_shared>>
      %dma_wait3A_770 = arith.constant 0 : i32
      %dma_wait3A_771 = arith.constant 0 : i32
      %dma_wait3A_772 = tpu.memref_slice %arg7[%arg1, %dma_wait3A_761, %dma_wait3A_770, %dma_wait3A_771] : memref<16x4x80x128xf32, #tpu.memory_space<vmem_shared>> -> memref<1x1x80x128xf32, #tpu.memory_space<vmem_shared>>
      %dma_wait3A_773 = tpu.memref_squeeze %dma_wait3A_772 : memref<1x1x80x128xf32, #tpu.memory_space<vmem_shared>> -> memref<80x128xf32, #tpu.memory_space<vmem_shared>>
      %dma_wait3A_774 = arith.constant 0 : i32
      %dma_wait3A_775 = arith.constant 0 : i32
      %dma_wait3A_776 = tpu.memref_slice %arg6[%dma_wait3A_760, %dma_wait3A_774, %dma_wait3A_775] : memref<4x80x128xf32, #tpu.memory_space<vmem>> -> memref<1x80x128xf32, #tpu.memory_space<vmem>>
      %dma_wait3A_777 = tpu.memref_squeeze %dma_wait3A_776 : memref<1x80x128xf32, #tpu.memory_space<vmem>> -> memref<80x128xf32, #tpu.memory_space<vmem>>
      tpu.wait_dma2 semaphore(%arg13 : memref<!tpu.dma_semaphore, #tpu.memory_space<semaphore_mem>>) src(%dma_wait3A_777 : memref<80x128xf32, #tpu.memory_space<vmem>>) dst(%dma_wait3A_773 : memref<80x128xf32, #tpu.memory_space<vmem_shared>>)
      %mul3A_778 = arith.constant 80 : i32
      %mul3A_779 = arith.muli %add3A_718, %mul3A_778 : i32
      %add3A_780 = arith.addi %mul3A_2, %mul3A_779 : i32
      %dma_start3A_781 = arith.constant 1 : i32
      %dma_start3A_782 = arith.constant 0 : i32
      %dma_start3A_783 = tpu.memref_slice %arg4[%add3A_780, %dma_start3A_782] : memref<819200x128xf32, #tpu.memory_space<hbm>> -> memref<80x128xf32, #tpu.memory_space<hbm>>
      %dma_start3A_784 = arith.constant 0 : i32
      %dma_start3A_785 = arith.constant 0 : i32
      %dma_start3A_786 = tpu.memref_slice %arg7[%arg1, %dma_start3A_781, %dma_start3A_784, %dma_start3A_785] : memref<16x4x80x128xf32, #tpu.memory_space<vmem_shared>> -> memref<1x1x80x128xf32, #tpu.memory_space<vmem_shared>>
      %dma_start3A_787 = tpu.memref_squeeze %dma_start3A_786 : memref<1x1x80x128xf32, #tpu.memory_space<vmem_shared>> -> memref<80x128xf32, #tpu.memory_space<vmem_shared>>
      tpu.enqueue_dma source(%dma_start3A_787 : memref<80x128xf32, #tpu.memory_space<vmem_shared>>) target(%dma_start3A_783 : memref<80x128xf32, #tpu.memory_space<hbm>>) target_semaphore(%arg17 : memref<!tpu.dma_semaphore, #tpu.memory_space<semaphore_mem>>)
      %add3A_788 = arith.constant 4 : i32
      %add3A_789 = arith.addi %add3A_718, %add3A_788 : i32
      %dma_start3A_790 = arith.constant 1 : i32
      %dma_start3A_791 = arith.constant 0 : i32
      %dma_start3A_792 = arith.constant 0 : i32
      %dma_start3A_793 = tpu.memref_slice %arg6[%dma_start3A_790, %dma_start3A_791, %dma_start3A_792] : memref<4x80x128xf32, #tpu.memory_space<vmem>> -> memref<1x80x128xf32, #tpu.memory_space<vmem>>
      %dma_start3A_794 = tpu.memref_squeeze %dma_start3A_793 : memref<1x80x128xf32, #tpu.memory_space<vmem>> -> memref<80x128xf32, #tpu.memory_space<vmem>>
      %dma_start3A_795 = arith.constant 0 : i32
      %dma_start3A_796 = tpu.memref_slice %arg5[%add3A_789, %dma_start3A_795] : memref<320x80xi32, #tpu.memory_space<vmem>> -> memref<1x80xi32, #tpu.memory_space<vmem>>
      %dma_start3A_797 = tpu.memref_squeeze %dma_start3A_796 : memref<1x80xi32, #tpu.memory_space<vmem>> -> memref<80xi32, #tpu.memory_space<vmem>>
      %dma_start3A_798 = arith.constant 0 : i32
      %dma_start3A_799 = arith.constant 0 : i32
      %dma_start3A_800 = tpu.memref_slice %arg3[%dma_start3A_798, %dma_start3A_799] : memref<100000x128xf32, #tpu.memory_space<hbm>> -> memref<100000x128xf32, #tpu.memory_space<hbm>>
      tpu.enqueue_indirect_dma source(%dma_start3A_800 : memref<100000x128xf32, #tpu.memory_space<hbm>>) target(%dma_start3A_794 : memref<80x128xf32, #tpu.memory_space<vmem>>) offsets(%dma_start3A_797 : memref<80xi32, #tpu.memory_space<vmem>>) semaphore(%arg9 : memref<!tpu.dma_semaphore, #tpu.memory_space<semaphore_mem>>)
      %add3A_801 = arith.constant 2 : i32
      %add3A_802 = arith.addi %mul3A_633, %add3A_801 : i32
      %dma_wait3A_803 = arith.constant 2 : i32
      %dma_wait3A_804 = arith.constant 0 : i32
      %dma_wait3A_805 = arith.constant 0 : i32
      %dma_wait3A_806 = tpu.memref_slice %arg6[%dma_wait3A_803, %dma_wait3A_804, %dma_wait3A_805] : memref<4x80x128xf32, #tpu.memory_space<vmem>> -> memref<1x80x128xf32, #tpu.memory_space<vmem>>
      %dma_wait3A_807 = tpu.memref_squeeze %dma_wait3A_806 : memref<1x80x128xf32, #tpu.memory_space<vmem>> -> memref<80x128xf32, #tpu.memory_space<vmem>>
      %dma_wait3A_808 = arith.constant 0 : i32
      %dma_wait3A_809 = tpu.memref_slice %arg5[%add3A_802, %dma_wait3A_808] : memref<320x80xi32, #tpu.memory_space<vmem>> -> memref<1x80xi32, #tpu.memory_space<vmem>>
      %dma_wait3A_810 = tpu.memref_squeeze %dma_wait3A_809 : memref<1x80xi32, #tpu.memory_space<vmem>> -> memref<80xi32, #tpu.memory_space<vmem>>
      %dma_wait3A_811 = arith.constant 0 : i32
      %dma_wait3A_812 = arith.constant 0 : i32
      %dma_wait3A_813 = tpu.memref_slice %arg3[%dma_wait3A_811, %dma_wait3A_812] : memref<100000x128xf32, #tpu.memory_space<hbm>> -> memref<100000x128xf32, #tpu.memory_space<hbm>>
      tpu.wait_indirect_dma semaphore(%arg10 : memref<!tpu.dma_semaphore, #tpu.memory_space<semaphore_mem>>) src(%dma_wait3A_813 : memref<100000x128xf32, #tpu.memory_space<hbm>>) dst(%dma_wait3A_807 : memref<80x128xf32, #tpu.memory_space<vmem>>)
      %sub3A_814 = arith.constant 4 : i32
      %sub3A_815 = arith.subi %add3A_802, %sub3A_814 : i32
      %mul3A_816 = arith.constant 80 : i32
      %mul3A_817 = arith.muli %sub3A_815, %mul3A_816 : i32
      %add3A_818 = arith.addi %mul3A_2, %mul3A_817 : i32
      %dma_wait3A_819 = arith.constant 2 : i32
      %dma_wait3A_820 = arith.constant 0 : i32
      %dma_wait3A_821 = tpu.memref_slice %arg4[%add3A_818, %dma_wait3A_820] : memref<819200x128xf32, #tpu.memory_space<hbm>> -> memref<80x128xf32, #tpu.memory_space<hbm>>
      %dma_wait3A_822 = arith.constant 0 : i32
      %dma_wait3A_823 = arith.constant 0 : i32
      %dma_wait3A_824 = tpu.memref_slice %arg7[%arg1, %dma_wait3A_819, %dma_wait3A_822, %dma_wait3A_823] : memref<16x4x80x128xf32, #tpu.memory_space<vmem_shared>> -> memref<1x1x80x128xf32, #tpu.memory_space<vmem_shared>>
      %dma_wait3A_825 = tpu.memref_squeeze %dma_wait3A_824 : memref<1x1x80x128xf32, #tpu.memory_space<vmem_shared>> -> memref<80x128xf32, #tpu.memory_space<vmem_shared>>
      tpu.wait_dma2 semaphore(%arg18 : memref<!tpu.dma_semaphore, #tpu.memory_space<semaphore_mem>>) src(%dma_wait3A_825 : memref<80x128xf32, #tpu.memory_space<vmem_shared>>) dst(%dma_wait3A_821 : memref<80x128xf32, #tpu.memory_space<hbm>>)
      %dma_start3A_826 = arith.constant 2 : i32
      %dma_start3A_827 = arith.constant 2 : i32
      %dma_start3A_828 = arith.constant 0 : i32
      %dma_start3A_829 = arith.constant 0 : i32
      %dma_start3A_830 = tpu.memref_slice %arg6[%dma_start3A_826, %dma_start3A_828, %dma_start3A_829] : memref<4x80x128xf32, #tpu.memory_space<vmem>> -> memref<1x80x128xf32, #tpu.memory_space<vmem>>
      %dma_start3A_831 = tpu.memref_squeeze %dma_start3A_830 : memref<1x80x128xf32, #tpu.memory_space<vmem>> -> memref<80x128xf32, #tpu.memory_space<vmem>>
      %dma_start3A_832 = arith.constant 0 : i32
      %dma_start3A_833 = arith.constant 0 : i32
      %dma_start3A_834 = tpu.memref_slice %arg7[%arg1, %dma_start3A_827, %dma_start3A_832, %dma_start3A_833] : memref<16x4x80x128xf32, #tpu.memory_space<vmem_shared>> -> memref<1x1x80x128xf32, #tpu.memory_space<vmem_shared>>
      %dma_start3A_835 = tpu.memref_squeeze %dma_start3A_834 : memref<1x1x80x128xf32, #tpu.memory_space<vmem_shared>> -> memref<80x128xf32, #tpu.memory_space<vmem_shared>>
      %dma_start3A_836 = arith.constant 0 : i32
      %dma_start3A_837 = arith.constant 0 : i32
      %dma_start3A_838 = tpu.memref_slice %arg7[%arg1, %dma_start3A_827, %dma_start3A_836, %dma_start3A_837] : memref<16x4x80x128xf32, #tpu.memory_space<vmem_shared>> -> memref<1x1x80x128xf32, #tpu.memory_space<vmem_shared>>
      %dma_start3A_839 = tpu.memref_squeeze %dma_start3A_838 : memref<1x1x80x128xf32, #tpu.memory_space<vmem_shared>> -> memref<80x128xf32, #tpu.memory_space<vmem_shared>>
      %dma_start3A_840 = arith.constant 0 : i32
      %dma_start3A_841 = arith.constant 0 : i32
      %dma_start3A_842 = tpu.memref_slice %arg6[%dma_start3A_826, %dma_start3A_840, %dma_start3A_841] : memref<4x80x128xf32, #tpu.memory_space<vmem>> -> memref<1x80x128xf32, #tpu.memory_space<vmem>>
      %dma_start3A_843 = tpu.memref_squeeze %dma_start3A_842 : memref<1x80x128xf32, #tpu.memory_space<vmem>> -> memref<80x128xf32, #tpu.memory_space<vmem>>
      tpu.enqueue_dma source(%dma_start3A_843 : memref<80x128xf32, #tpu.memory_space<vmem>>) target(%dma_start3A_839 : memref<80x128xf32, #tpu.memory_space<vmem_shared>>) target_semaphore(%arg14 : memref<!tpu.dma_semaphore, #tpu.memory_space<semaphore_mem>>)
      %dma_wait3A_844 = arith.constant 2 : i32
      %dma_wait3A_845 = arith.constant 2 : i32
      %dma_wait3A_846 = arith.constant 0 : i32
      %dma_wait3A_847 = arith.constant 0 : i32
      %dma_wait3A_848 = tpu.memref_slice %arg6[%dma_wait3A_844, %dma_wait3A_846, %dma_wait3A_847] : memref<4x80x128xf32, #tpu.memory_space<vmem>> -> memref<1x80x128xf32, #tpu.memory_space<vmem>>
      %dma_wait3A_849 = tpu.memref_squeeze %dma_wait3A_848 : memref<1x80x128xf32, #tpu.memory_space<vmem>> -> memref<80x128xf32, #tpu.memory_space<vmem>>
      %dma_wait3A_850 = arith.constant 0 : i32
      %dma_wait3A_851 = arith.constant 0 : i32
      %dma_wait3A_852 = tpu.memref_slice %arg7[%arg1, %dma_wait3A_845, %dma_wait3A_850, %dma_wait3A_851] : memref<16x4x80x128xf32, #tpu.memory_space<vmem_shared>> -> memref<1x1x80x128xf32, #tpu.memory_space<vmem_shared>>
      %dma_wait3A_853 = tpu.memref_squeeze %dma_wait3A_852 : memref<1x1x80x128xf32, #tpu.memory_space<vmem_shared>> -> memref<80x128xf32, #tpu.memory_space<vmem_shared>>
      %dma_wait3A_854 = arith.constant 0 : i32
      %dma_wait3A_855 = arith.constant 0 : i32
      %dma_wait3A_856 = tpu.memref_slice %arg7[%arg1, %dma_wait3A_845, %dma_wait3A_854, %dma_wait3A_855] : memref<16x4x80x128xf32, #tpu.memory_space<vmem_shared>> -> memref<1x1x80x128xf32, #tpu.memory_space<vmem_shared>>
      %dma_wait3A_857 = tpu.memref_squeeze %dma_wait3A_856 : memref<1x1x80x128xf32, #tpu.memory_space<vmem_shared>> -> memref<80x128xf32, #tpu.memory_space<vmem_shared>>
      %dma_wait3A_858 = arith.constant 0 : i32
      %dma_wait3A_859 = arith.constant 0 : i32
      %dma_wait3A_860 = tpu.memref_slice %arg6[%dma_wait3A_844, %dma_wait3A_858, %dma_wait3A_859] : memref<4x80x128xf32, #tpu.memory_space<vmem>> -> memref<1x80x128xf32, #tpu.memory_space<vmem>>
      %dma_wait3A_861 = tpu.memref_squeeze %dma_wait3A_860 : memref<1x80x128xf32, #tpu.memory_space<vmem>> -> memref<80x128xf32, #tpu.memory_space<vmem>>
      tpu.wait_dma2 semaphore(%arg14 : memref<!tpu.dma_semaphore, #tpu.memory_space<semaphore_mem>>) src(%dma_wait3A_861 : memref<80x128xf32, #tpu.memory_space<vmem>>) dst(%dma_wait3A_857 : memref<80x128xf32, #tpu.memory_space<vmem_shared>>)
      %mul3A_862 = arith.constant 80 : i32
      %mul3A_863 = arith.muli %add3A_802, %mul3A_862 : i32
      %add3A_864 = arith.addi %mul3A_2, %mul3A_863 : i32
      %dma_start3A_865 = arith.constant 2 : i32
      %dma_start3A_866 = arith.constant 0 : i32
      %dma_start3A_867 = tpu.memref_slice %arg4[%add3A_864, %dma_start3A_866] : memref<819200x128xf32, #tpu.memory_space<hbm>> -> memref<80x128xf32, #tpu.memory_space<hbm>>
      %dma_start3A_868 = arith.constant 0 : i32
      %dma_start3A_869 = arith.constant 0 : i32
      %dma_start3A_870 = tpu.memref_slice %arg7[%arg1, %dma_start3A_865, %dma_start3A_868, %dma_start3A_869] : memref<16x4x80x128xf32, #tpu.memory_space<vmem_shared>> -> memref<1x1x80x128xf32, #tpu.memory_space<vmem_shared>>
      %dma_start3A_871 = tpu.memref_squeeze %dma_start3A_870 : memref<1x1x80x128xf32, #tpu.memory_space<vmem_shared>> -> memref<80x128xf32, #tpu.memory_space<vmem_shared>>
      tpu.enqueue_dma source(%dma_start3A_871 : memref<80x128xf32, #tpu.memory_space<vmem_shared>>) target(%dma_start3A_867 : memref<80x128xf32, #tpu.memory_space<hbm>>) target_semaphore(%arg18 : memref<!tpu.dma_semaphore, #tpu.memory_space<semaphore_mem>>)
      %add3A_872 = arith.constant 4 : i32
      %add3A_873 = arith.addi %add3A_802, %add3A_872 : i32
      %dma_start3A_874 = arith.constant 2 : i32
      %dma_start3A_875 = arith.constant 0 : i32
      %dma_start3A_876 = arith.constant 0 : i32
      %dma_start3A_877 = tpu.memref_slice %arg6[%dma_start3A_874, %dma_start3A_875, %dma_start3A_876] : memref<4x80x128xf32, #tpu.memory_space<vmem>> -> memref<1x80x128xf32, #tpu.memory_space<vmem>>
      %dma_start3A_878 = tpu.memref_squeeze %dma_start3A_877 : memref<1x80x128xf32, #tpu.memory_space<vmem>> -> memref<80x128xf32, #tpu.memory_space<vmem>>
      %dma_start3A_879 = arith.constant 0 : i32
      %dma_start3A_880 = tpu.memref_slice %arg5[%add3A_873, %dma_start3A_879] : memref<320x80xi32, #tpu.memory_space<vmem>> -> memref<1x80xi32, #tpu.memory_space<vmem>>
      %dma_start3A_881 = tpu.memref_squeeze %dma_start3A_880 : memref<1x80xi32, #tpu.memory_space<vmem>> -> memref<80xi32, #tpu.memory_space<vmem>>
      %dma_start3A_882 = arith.constant 0 : i32
      %dma_start3A_883 = arith.constant 0 : i32
      %dma_start3A_884 = tpu.memref_slice %arg3[%dma_start3A_882, %dma_start3A_883] : memref<100000x128xf32, #tpu.memory_space<hbm>> -> memref<100000x128xf32, #tpu.memory_space<hbm>>
      tpu.enqueue_indirect_dma source(%dma_start3A_884 : memref<100000x128xf32, #tpu.memory_space<hbm>>) target(%dma_start3A_878 : memref<80x128xf32, #tpu.memory_space<vmem>>) offsets(%dma_start3A_881 : memref<80xi32, #tpu.memory_space<vmem>>) semaphore(%arg10 : memref<!tpu.dma_semaphore, #tpu.memory_space<semaphore_mem>>)
      %add3A_885 = arith.constant 3 : i32
      %add3A_886 = arith.addi %mul3A_633, %add3A_885 : i32
      %dma_wait3A_887 = arith.constant 3 : i32
      %dma_wait3A_888 = arith.constant 0 : i32
      %dma_wait3A_889 = arith.constant 0 : i32
      %dma_wait3A_890 = tpu.memref_slice %arg6[%dma_wait3A_887, %dma_wait3A_888, %dma_wait3A_889] : memref<4x80x128xf32, #tpu.memory_space<vmem>> -> memref<1x80x128xf32, #tpu.memory_space<vmem>>
      %dma_wait3A_891 = tpu.memref_squeeze %dma_wait3A_890 : memref<1x80x128xf32, #tpu.memory_space<vmem>> -> memref<80x128xf32, #tpu.memory_space<vmem>>
      %dma_wait3A_892 = arith.constant 0 : i32
      %dma_wait3A_893 = tpu.memref_slice %arg5[%add3A_886, %dma_wait3A_892] : memref<320x80xi32, #tpu.memory_space<vmem>> -> memref<1x80xi32, #tpu.memory_space<vmem>>
      %dma_wait3A_894 = tpu.memref_squeeze %dma_wait3A_893 : memref<1x80xi32, #tpu.memory_space<vmem>> -> memref<80xi32, #tpu.memory_space<vmem>>
      %dma_wait3A_895 = arith.constant 0 : i32
      %dma_wait3A_896 = arith.constant 0 : i32
      %dma_wait3A_897 = tpu.memref_slice %arg3[%dma_wait3A_895, %dma_wait3A_896] : memref<100000x128xf32, #tpu.memory_space<hbm>> -> memref<100000x128xf32, #tpu.memory_space<hbm>>
      tpu.wait_indirect_dma semaphore(%arg11 : memref<!tpu.dma_semaphore, #tpu.memory_space<semaphore_mem>>) src(%dma_wait3A_897 : memref<100000x128xf32, #tpu.memory_space<hbm>>) dst(%dma_wait3A_891 : memref<80x128xf32, #tpu.memory_space<vmem>>)
      %sub3A_898 = arith.constant 4 : i32
      %sub3A_899 = arith.subi %add3A_886, %sub3A_898 : i32
      %mul3A_900 = arith.constant 80 : i32
      %mul3A_901 = arith.muli %sub3A_899, %mul3A_900 : i32
      %add3A_902 = arith.addi %mul3A_2, %mul3A_901 : i32
      %dma_wait3A_903 = arith.constant 3 : i32
      %dma_wait3A_904 = arith.constant 0 : i32
      %dma_wait3A_905 = tpu.memref_slice %arg4[%add3A_902, %dma_wait3A_904] : memref<819200x128xf32, #tpu.memory_space<hbm>> -> memref<80x128xf32, #tpu.memory_space<hbm>>
      %dma_wait3A_906 = arith.constant 0 : i32
      %dma_wait3A_907 = arith.constant 0 : i32
      %dma_wait3A_908 = tpu.memref_slice %arg7[%arg1, %dma_wait3A_903, %dma_wait3A_906, %dma_wait3A_907] : memref<16x4x80x128xf32, #tpu.memory_space<vmem_shared>> -> memref<1x1x80x128xf32, #tpu.memory_space<vmem_shared>>
      %dma_wait3A_909 = tpu.memref_squeeze %dma_wait3A_908 : memref<1x1x80x128xf32, #tpu.memory_space<vmem_shared>> -> memref<80x128xf32, #tpu.memory_space<vmem_shared>>
      tpu.wait_dma2 semaphore(%arg19 : memref<!tpu.dma_semaphore, #tpu.memory_space<semaphore_mem>>) src(%dma_wait3A_909 : memref<80x128xf32, #tpu.memory_space<vmem_shared>>) dst(%dma_wait3A_905 : memref<80x128xf32, #tpu.memory_space<hbm>>)
      %dma_start3A_910 = arith.constant 3 : i32
      %dma_start3A_911 = arith.constant 3 : i32
      %dma_start3A_912 = arith.constant 0 : i32
      %dma_start3A_913 = arith.constant 0 : i32
      %dma_start3A_914 = tpu.memref_slice %arg6[%dma_start3A_910, %dma_start3A_912, %dma_start3A_913] : memref<4x80x128xf32, #tpu.memory_space<vmem>> -> memref<1x80x128xf32, #tpu.memory_space<vmem>>
      %dma_start3A_915 = tpu.memref_squeeze %dma_start3A_914 : memref<1x80x128xf32, #tpu.memory_space<vmem>> -> memref<80x128xf32, #tpu.memory_space<vmem>>
      %dma_start3A_916 = arith.constant 0 : i32
      %dma_start3A_917 = arith.constant 0 : i32
      %dma_start3A_918 = tpu.memref_slice %arg7[%arg1, %dma_start3A_911, %dma_start3A_916, %dma_start3A_917] : memref<16x4x80x128xf32, #tpu.memory_space<vmem_shared>> -> memref<1x1x80x128xf32, #tpu.memory_space<vmem_shared>>
      %dma_start3A_919 = tpu.memref_squeeze %dma_start3A_918 : memref<1x1x80x128xf32, #tpu.memory_space<vmem_shared>> -> memref<80x128xf32, #tpu.memory_space<vmem_shared>>
      %dma_start3A_920 = arith.constant 0 : i32
      %dma_start3A_921 = arith.constant 0 : i32
      %dma_start3A_922 = tpu.memref_slice %arg7[%arg1, %dma_start3A_911, %dma_start3A_920, %dma_start3A_921] : memref<16x4x80x128xf32, #tpu.memory_space<vmem_shared>> -> memref<1x1x80x128xf32, #tpu.memory_space<vmem_shared>>
      %dma_start3A_923 = tpu.memref_squeeze %dma_start3A_922 : memref<1x1x80x128xf32, #tpu.memory_space<vmem_shared>> -> memref<80x128xf32, #tpu.memory_space<vmem_shared>>
      %dma_start3A_924 = arith.constant 0 : i32
      %dma_start3A_925 = arith.constant 0 : i32
      %dma_start3A_926 = tpu.memref_slice %arg6[%dma_start3A_910, %dma_start3A_924, %dma_start3A_925] : memref<4x80x128xf32, #tpu.memory_space<vmem>> -> memref<1x80x128xf32, #tpu.memory_space<vmem>>
      %dma_start3A_927 = tpu.memref_squeeze %dma_start3A_926 : memref<1x80x128xf32, #tpu.memory_space<vmem>> -> memref<80x128xf32, #tpu.memory_space<vmem>>
      tpu.enqueue_dma source(%dma_start3A_927 : memref<80x128xf32, #tpu.memory_space<vmem>>) target(%dma_start3A_923 : memref<80x128xf32, #tpu.memory_space<vmem_shared>>) target_semaphore(%arg15 : memref<!tpu.dma_semaphore, #tpu.memory_space<semaphore_mem>>)
      %dma_wait3A_928 = arith.constant 3 : i32
      %dma_wait3A_929 = arith.constant 3 : i32
      %dma_wait3A_930 = arith.constant 0 : i32
      %dma_wait3A_931 = arith.constant 0 : i32
      %dma_wait3A_932 = tpu.memref_slice %arg6[%dma_wait3A_928, %dma_wait3A_930, %dma_wait3A_931] : memref<4x80x128xf32, #tpu.memory_space<vmem>> -> memref<1x80x128xf32, #tpu.memory_space<vmem>>
      %dma_wait3A_933 = tpu.memref_squeeze %dma_wait3A_932 : memref<1x80x128xf32, #tpu.memory_space<vmem>> -> memref<80x128xf32, #tpu.memory_space<vmem>>
      %dma_wait3A_934 = arith.constant 0 : i32
      %dma_wait3A_935 = arith.constant 0 : i32
      %dma_wait3A_936 = tpu.memref_slice %arg7[%arg1, %dma_wait3A_929, %dma_wait3A_934, %dma_wait3A_935] : memref<16x4x80x128xf32, #tpu.memory_space<vmem_shared>> -> memref<1x1x80x128xf32, #tpu.memory_space<vmem_shared>>
      %dma_wait3A_937 = tpu.memref_squeeze %dma_wait3A_936 : memref<1x1x80x128xf32, #tpu.memory_space<vmem_shared>> -> memref<80x128xf32, #tpu.memory_space<vmem_shared>>
      %dma_wait3A_938 = arith.constant 0 : i32
      %dma_wait3A_939 = arith.constant 0 : i32
      %dma_wait3A_940 = tpu.memref_slice %arg7[%arg1, %dma_wait3A_929, %dma_wait3A_938, %dma_wait3A_939] : memref<16x4x80x128xf32, #tpu.memory_space<vmem_shared>> -> memref<1x1x80x128xf32, #tpu.memory_space<vmem_shared>>
      %dma_wait3A_941 = tpu.memref_squeeze %dma_wait3A_940 : memref<1x1x80x128xf32, #tpu.memory_space<vmem_shared>> -> memref<80x128xf32, #tpu.memory_space<vmem_shared>>
      %dma_wait3A_942 = arith.constant 0 : i32
      %dma_wait3A_943 = arith.constant 0 : i32
      %dma_wait3A_944 = tpu.memref_slice %arg6[%dma_wait3A_928, %dma_wait3A_942, %dma_wait3A_943] : memref<4x80x128xf32, #tpu.memory_space<vmem>> -> memref<1x80x128xf32, #tpu.memory_space<vmem>>
      %dma_wait3A_945 = tpu.memref_squeeze %dma_wait3A_944 : memref<1x80x128xf32, #tpu.memory_space<vmem>> -> memref<80x128xf32, #tpu.memory_space<vmem>>
      tpu.wait_dma2 semaphore(%arg15 : memref<!tpu.dma_semaphore, #tpu.memory_space<semaphore_mem>>) src(%dma_wait3A_945 : memref<80x128xf32, #tpu.memory_space<vmem>>) dst(%dma_wait3A_941 : memref<80x128xf32, #tpu.memory_space<vmem_shared>>)
      %mul3A_946 = arith.constant 80 : i32
      %mul3A_947 = arith.muli %add3A_886, %mul3A_946 : i32
      %add3A_948 = arith.addi %mul3A_2, %mul3A_947 : i32
      %dma_start3A_949 = arith.constant 3 : i32
      %dma_start3A_950 = arith.constant 0 : i32
      %dma_start3A_951 = tpu.memref_slice %arg4[%add3A_948, %dma_start3A_950] : memref<819200x128xf32, #tpu.memory_space<hbm>> -> memref<80x128xf32, #tpu.memory_space<hbm>>
      %dma_start3A_952 = arith.constant 0 : i32
      %dma_start3A_953 = arith.constant 0 : i32
      %dma_start3A_954 = tpu.memref_slice %arg7[%arg1, %dma_start3A_949, %dma_start3A_952, %dma_start3A_953] : memref<16x4x80x128xf32, #tpu.memory_space<vmem_shared>> -> memref<1x1x80x128xf32, #tpu.memory_space<vmem_shared>>
      %dma_start3A_955 = tpu.memref_squeeze %dma_start3A_954 : memref<1x1x80x128xf32, #tpu.memory_space<vmem_shared>> -> memref<80x128xf32, #tpu.memory_space<vmem_shared>>
      tpu.enqueue_dma source(%dma_start3A_955 : memref<80x128xf32, #tpu.memory_space<vmem_shared>>) target(%dma_start3A_951 : memref<80x128xf32, #tpu.memory_space<hbm>>) target_semaphore(%arg19 : memref<!tpu.dma_semaphore, #tpu.memory_space<semaphore_mem>>)
      %add3A_956 = arith.constant 4 : i32
      %add3A_957 = arith.addi %add3A_886, %add3A_956 : i32
      %dma_start3A_958 = arith.constant 3 : i32
      %dma_start3A_959 = arith.constant 0 : i32
      %dma_start3A_960 = arith.constant 0 : i32
      %dma_start3A_961 = tpu.memref_slice %arg6[%dma_start3A_958, %dma_start3A_959, %dma_start3A_960] : memref<4x80x128xf32, #tpu.memory_space<vmem>> -> memref<1x80x128xf32, #tpu.memory_space<vmem>>
      %dma_start3A_962 = tpu.memref_squeeze %dma_start3A_961 : memref<1x80x128xf32, #tpu.memory_space<vmem>> -> memref<80x128xf32, #tpu.memory_space<vmem>>
      %dma_start3A_963 = arith.constant 0 : i32
      %dma_start3A_964 = tpu.memref_slice %arg5[%add3A_957, %dma_start3A_963] : memref<320x80xi32, #tpu.memory_space<vmem>> -> memref<1x80xi32, #tpu.memory_space<vmem>>
      %dma_start3A_965 = tpu.memref_squeeze %dma_start3A_964 : memref<1x80xi32, #tpu.memory_space<vmem>> -> memref<80xi32, #tpu.memory_space<vmem>>
      %dma_start3A_966 = arith.constant 0 : i32
      %dma_start3A_967 = arith.constant 0 : i32
      %dma_start3A_968 = tpu.memref_slice %arg3[%dma_start3A_966, %dma_start3A_967] : memref<100000x128xf32, #tpu.memory_space<hbm>> -> memref<100000x128xf32, #tpu.memory_space<hbm>>
      tpu.enqueue_indirect_dma source(%dma_start3A_968 : memref<100000x128xf32, #tpu.memory_space<hbm>>) target(%dma_start3A_962 : memref<80x128xf32, #tpu.memory_space<vmem>>) offsets(%dma_start3A_965 : memref<80xi32, #tpu.memory_space<vmem>>) semaphore(%arg11 : memref<!tpu.dma_semaphore, #tpu.memory_space<semaphore_mem>>)
    }
    %scan3A_330 = arith.constant 78 : i32
    %dma_wait3A_331 = arith.constant 316 : i32
    %dma_wait3A_332 = arith.constant 0 : i32
    %dma_wait3A_333 = arith.constant 0 : i32
    %dma_wait3A_334 = arith.constant 0 : i32
    %dma_wait3A_335 = tpu.memref_slice %arg6[%dma_wait3A_332, %dma_wait3A_333, %dma_wait3A_334] : memref<4x80x128xf32, #tpu.memory_space<vmem>> -> memref<1x80x128xf32, #tpu.memory_space<vmem>>
    %dma_wait3A_336 = tpu.memref_squeeze %dma_wait3A_335 : memref<1x80x128xf32, #tpu.memory_space<vmem>> -> memref<80x128xf32, #tpu.memory_space<vmem>>
    %dma_wait3A_337 = arith.constant 0 : i32
    %dma_wait3A_338 = tpu.memref_slice %arg5[%dma_wait3A_331, %dma_wait3A_337] : memref<320x80xi32, #tpu.memory_space<vmem>> -> memref<1x80xi32, #tpu.memory_space<vmem>>
    %dma_wait3A_339 = tpu.memref_squeeze %dma_wait3A_338 : memref<1x80xi32, #tpu.memory_space<vmem>> -> memref<80xi32, #tpu.memory_space<vmem>>
    %dma_wait3A_340 = arith.constant 0 : i32
    %dma_wait3A_341 = arith.constant 0 : i32
    %dma_wait3A_342 = tpu.memref_slice %arg3[%dma_wait3A_340, %dma_wait3A_341] : memref<100000x128xf32, #tpu.memory_space<hbm>> -> memref<100000x128xf32, #tpu.memory_space<hbm>>
    tpu.wait_indirect_dma semaphore(%arg8 : memref<!tpu.dma_semaphore, #tpu.memory_space<semaphore_mem>>) src(%dma_wait3A_342 : memref<100000x128xf32, #tpu.memory_space<hbm>>) dst(%dma_wait3A_336 : memref<80x128xf32, #tpu.memory_space<vmem>>)
    %add3A_343 = arith.constant 24960 : i32
    %add3A_344 = arith.addi %mul3A_2, %add3A_343 : i32
    %dma_wait3A_345 = arith.constant 0 : i32
    %dma_wait3A_346 = arith.constant 0 : i32
    %dma_wait3A_347 = tpu.memref_slice %arg4[%add3A_344, %dma_wait3A_346] : memref<819200x128xf32, #tpu.memory_space<hbm>> -> memref<80x128xf32, #tpu.memory_space<hbm>>
    %dma_wait3A_348 = arith.constant 0 : i32
    %dma_wait3A_349 = arith.constant 0 : i32
    %dma_wait3A_350 = tpu.memref_slice %arg7[%arg1, %dma_wait3A_345, %dma_wait3A_348, %dma_wait3A_349] : memref<16x4x80x128xf32, #tpu.memory_space<vmem_shared>> -> memref<1x1x80x128xf32, #tpu.memory_space<vmem_shared>>
    %dma_wait3A_351 = tpu.memref_squeeze %dma_wait3A_350 : memref<1x1x80x128xf32, #tpu.memory_space<vmem_shared>> -> memref<80x128xf32, #tpu.memory_space<vmem_shared>>
    tpu.wait_dma2 semaphore(%arg16 : memref<!tpu.dma_semaphore, #tpu.memory_space<semaphore_mem>>) src(%dma_wait3A_351 : memref<80x128xf32, #tpu.memory_space<vmem_shared>>) dst(%dma_wait3A_347 : memref<80x128xf32, #tpu.memory_space<hbm>>)
    %dma_start3A_352 = arith.constant 0 : i32
    %dma_start3A_353 = arith.constant 0 : i32
    %dma_start3A_354 = arith.constant 0 : i32
    %dma_start3A_355 = arith.constant 0 : i32
    %dma_start3A_356 = tpu.memref_slice %arg6[%dma_start3A_352, %dma_start3A_354, %dma_start3A_355] : memref<4x80x128xf32, #tpu.memory_space<vmem>> -> memref<1x80x128xf32, #tpu.memory_space<vmem>>
    %dma_start3A_357 = tpu.memref_squeeze %dma_start3A_356 : memref<1x80x128xf32, #tpu.memory_space<vmem>> -> memref<80x128xf32, #tpu.memory_space<vmem>>
    %dma_start3A_358 = arith.constant 0 : i32
    %dma_start3A_359 = arith.constant 0 : i32
    %dma_start3A_360 = tpu.memref_slice %arg7[%arg1, %dma_start3A_353, %dma_start3A_358, %dma_start3A_359] : memref<16x4x80x128xf32, #tpu.memory_space<vmem_shared>> -> memref<1x1x80x128xf32, #tpu.memory_space<vmem_shared>>
    %dma_start3A_361 = tpu.memref_squeeze %dma_start3A_360 : memref<1x1x80x128xf32, #tpu.memory_space<vmem_shared>> -> memref<80x128xf32, #tpu.memory_space<vmem_shared>>
    %dma_start3A_362 = arith.constant 0 : i32
    %dma_start3A_363 = arith.constant 0 : i32
    %dma_start3A_364 = tpu.memref_slice %arg7[%arg1, %dma_start3A_353, %dma_start3A_362, %dma_start3A_363] : memref<16x4x80x128xf32, #tpu.memory_space<vmem_shared>> -> memref<1x1x80x128xf32, #tpu.memory_space<vmem_shared>>
    %dma_start3A_365 = tpu.memref_squeeze %dma_start3A_364 : memref<1x1x80x128xf32, #tpu.memory_space<vmem_shared>> -> memref<80x128xf32, #tpu.memory_space<vmem_shared>>
    %dma_start3A_366 = arith.constant 0 : i32
    %dma_start3A_367 = arith.constant 0 : i32
    %dma_start3A_368 = tpu.memref_slice %arg6[%dma_start3A_352, %dma_start3A_366, %dma_start3A_367] : memref<4x80x128xf32, #tpu.memory_space<vmem>> -> memref<1x80x128xf32, #tpu.memory_space<vmem>>
    %dma_start3A_369 = tpu.memref_squeeze %dma_start3A_368 : memref<1x80x128xf32, #tpu.memory_space<vmem>> -> memref<80x128xf32, #tpu.memory_space<vmem>>
    tpu.enqueue_dma source(%dma_start3A_369 : memref<80x128xf32, #tpu.memory_space<vmem>>) target(%dma_start3A_365 : memref<80x128xf32, #tpu.memory_space<vmem_shared>>) target_semaphore(%arg12 : memref<!tpu.dma_semaphore, #tpu.memory_space<semaphore_mem>>)
    %dma_wait3A_370 = arith.constant 0 : i32
    %dma_wait3A_371 = arith.constant 0 : i32
    %dma_wait3A_372 = arith.constant 0 : i32
    %dma_wait3A_373 = arith.constant 0 : i32
    %dma_wait3A_374 = tpu.memref_slice %arg6[%dma_wait3A_370, %dma_wait3A_372, %dma_wait3A_373] : memref<4x80x128xf32, #tpu.memory_space<vmem>> -> memref<1x80x128xf32, #tpu.memory_space<vmem>>
    %dma_wait3A_375 = tpu.memref_squeeze %dma_wait3A_374 : memref<1x80x128xf32, #tpu.memory_space<vmem>> -> memref<80x128xf32, #tpu.memory_space<vmem>>
    %dma_wait3A_376 = arith.constant 0 : i32
    %dma_wait3A_377 = arith.constant 0 : i32
    %dma_wait3A_378 = tpu.memref_slice %arg7[%arg1, %dma_wait3A_371, %dma_wait3A_376, %dma_wait3A_377] : memref<16x4x80x128xf32, #tpu.memory_space<vmem_shared>> -> memref<1x1x80x128xf32, #tpu.memory_space<vmem_shared>>
    %dma_wait3A_379 = tpu.memref_squeeze %dma_wait3A_378 : memref<1x1x80x128xf32, #tpu.memory_space<vmem_shared>> -> memref<80x128xf32, #tpu.memory_space<vmem_shared>>
    %dma_wait3A_380 = arith.constant 0 : i32
    %dma_wait3A_381 = arith.constant 0 : i32
    %dma_wait3A_382 = tpu.memref_slice %arg7[%arg1, %dma_wait3A_371, %dma_wait3A_380, %dma_wait3A_381] : memref<16x4x80x128xf32, #tpu.memory_space<vmem_shared>> -> memref<1x1x80x128xf32, #tpu.memory_space<vmem_shared>>
    %dma_wait3A_383 = tpu.memref_squeeze %dma_wait3A_382 : memref<1x1x80x128xf32, #tpu.memory_space<vmem_shared>> -> memref<80x128xf32, #tpu.memory_space<vmem_shared>>
    %dma_wait3A_384 = arith.constant 0 : i32
    %dma_wait3A_385 = arith.constant 0 : i32
    %dma_wait3A_386 = tpu.memref_slice %arg6[%dma_wait3A_370, %dma_wait3A_384, %dma_wait3A_385] : memref<4x80x128xf32, #tpu.memory_space<vmem>> -> memref<1x80x128xf32, #tpu.memory_space<vmem>>
    %dma_wait3A_387 = tpu.memref_squeeze %dma_wait3A_386 : memref<1x80x128xf32, #tpu.memory_space<vmem>> -> memref<80x128xf32, #tpu.memory_space<vmem>>
    tpu.wait_dma2 semaphore(%arg12 : memref<!tpu.dma_semaphore, #tpu.memory_space<semaphore_mem>>) src(%dma_wait3A_387 : memref<80x128xf32, #tpu.memory_space<vmem>>) dst(%dma_wait3A_383 : memref<80x128xf32, #tpu.memory_space<vmem_shared>>)
    %add3A_388 = arith.constant 25280 : i32
    %add3A_389 = arith.addi %mul3A_2, %add3A_388 : i32
    %dma_start3A_390 = arith.constant 0 : i32
    %dma_start3A_391 = arith.constant 0 : i32
    %dma_start3A_392 = tpu.memref_slice %arg4[%add3A_389, %dma_start3A_391] : memref<819200x128xf32, #tpu.memory_space<hbm>> -> memref<80x128xf32, #tpu.memory_space<hbm>>
    %dma_start3A_393 = arith.constant 0 : i32
    %dma_start3A_394 = arith.constant 0 : i32
    %dma_start3A_395 = tpu.memref_slice %arg7[%arg1, %dma_start3A_390, %dma_start3A_393, %dma_start3A_394] : memref<16x4x80x128xf32, #tpu.memory_space<vmem_shared>> -> memref<1x1x80x128xf32, #tpu.memory_space<vmem_shared>>
    %dma_start3A_396 = tpu.memref_squeeze %dma_start3A_395 : memref<1x1x80x128xf32, #tpu.memory_space<vmem_shared>> -> memref<80x128xf32, #tpu.memory_space<vmem_shared>>
    tpu.enqueue_dma source(%dma_start3A_396 : memref<80x128xf32, #tpu.memory_space<vmem_shared>>) target(%dma_start3A_392 : memref<80x128xf32, #tpu.memory_space<hbm>>) target_semaphore(%arg16 : memref<!tpu.dma_semaphore, #tpu.memory_space<semaphore_mem>>)
    %dma_wait3A_397 = arith.constant 317 : i32
    %dma_wait3A_398 = arith.constant 1 : i32
    %dma_wait3A_399 = arith.constant 0 : i32
    %dma_wait3A_400 = arith.constant 0 : i32
    %dma_wait3A_401 = tpu.memref_slice %arg6[%dma_wait3A_398, %dma_wait3A_399, %dma_wait3A_400] : memref<4x80x128xf32, #tpu.memory_space<vmem>> -> memref<1x80x128xf32, #tpu.memory_space<vmem>>
    %dma_wait3A_402 = tpu.memref_squeeze %dma_wait3A_401 : memref<1x80x128xf32, #tpu.memory_space<vmem>> -> memref<80x128xf32, #tpu.memory_space<vmem>>
    %dma_wait3A_403 = arith.constant 0 : i32
    %dma_wait3A_404 = tpu.memref_slice %arg5[%dma_wait3A_397, %dma_wait3A_403] : memref<320x80xi32, #tpu.memory_space<vmem>> -> memref<1x80xi32, #tpu.memory_space<vmem>>
    %dma_wait3A_405 = tpu.memref_squeeze %dma_wait3A_404 : memref<1x80xi32, #tpu.memory_space<vmem>> -> memref<80xi32, #tpu.memory_space<vmem>>
    %dma_wait3A_406 = arith.constant 0 : i32
    %dma_wait3A_407 = arith.constant 0 : i32
    %dma_wait3A_408 = tpu.memref_slice %arg3[%dma_wait3A_406, %dma_wait3A_407] : memref<100000x128xf32, #tpu.memory_space<hbm>> -> memref<100000x128xf32, #tpu.memory_space<hbm>>
    tpu.wait_indirect_dma semaphore(%arg9 : memref<!tpu.dma_semaphore, #tpu.memory_space<semaphore_mem>>) src(%dma_wait3A_408 : memref<100000x128xf32, #tpu.memory_space<hbm>>) dst(%dma_wait3A_402 : memref<80x128xf32, #tpu.memory_space<vmem>>)
    %add3A_409 = arith.constant 25040 : i32
    %add3A_410 = arith.addi %mul3A_2, %add3A_409 : i32
    %dma_wait3A_411 = arith.constant 1 : i32
    %dma_wait3A_412 = arith.constant 0 : i32
    %dma_wait3A_413 = tpu.memref_slice %arg4[%add3A_410, %dma_wait3A_412] : memref<819200x128xf32, #tpu.memory_space<hbm>> -> memref<80x128xf32, #tpu.memory_space<hbm>>
    %dma_wait3A_414 = arith.constant 0 : i32
    %dma_wait3A_415 = arith.constant 0 : i32
    %dma_wait3A_416 = tpu.memref_slice %arg7[%arg1, %dma_wait3A_411, %dma_wait3A_414, %dma_wait3A_415] : memref<16x4x80x128xf32, #tpu.memory_space<vmem_shared>> -> memref<1x1x80x128xf32, #tpu.memory_space<vmem_shared>>
    %dma_wait3A_417 = tpu.memref_squeeze %dma_wait3A_416 : memref<1x1x80x128xf32, #tpu.memory_space<vmem_shared>> -> memref<80x128xf32, #tpu.memory_space<vmem_shared>>
    tpu.wait_dma2 semaphore(%arg17 : memref<!tpu.dma_semaphore, #tpu.memory_space<semaphore_mem>>) src(%dma_wait3A_417 : memref<80x128xf32, #tpu.memory_space<vmem_shared>>) dst(%dma_wait3A_413 : memref<80x128xf32, #tpu.memory_space<hbm>>)
    %dma_start3A_418 = arith.constant 1 : i32
    %dma_start3A_419 = arith.constant 1 : i32
    %dma_start3A_420 = arith.constant 0 : i32
    %dma_start3A_421 = arith.constant 0 : i32
    %dma_start3A_422 = tpu.memref_slice %arg6[%dma_start3A_418, %dma_start3A_420, %dma_start3A_421] : memref<4x80x128xf32, #tpu.memory_space<vmem>> -> memref<1x80x128xf32, #tpu.memory_space<vmem>>
    %dma_start3A_423 = tpu.memref_squeeze %dma_start3A_422 : memref<1x80x128xf32, #tpu.memory_space<vmem>> -> memref<80x128xf32, #tpu.memory_space<vmem>>
    %dma_start3A_424 = arith.constant 0 : i32
    %dma_start3A_425 = arith.constant 0 : i32
    %dma_start3A_426 = tpu.memref_slice %arg7[%arg1, %dma_start3A_419, %dma_start3A_424, %dma_start3A_425] : memref<16x4x80x128xf32, #tpu.memory_space<vmem_shared>> -> memref<1x1x80x128xf32, #tpu.memory_space<vmem_shared>>
    %dma_start3A_427 = tpu.memref_squeeze %dma_start3A_426 : memref<1x1x80x128xf32, #tpu.memory_space<vmem_shared>> -> memref<80x128xf32, #tpu.memory_space<vmem_shared>>
    %dma_start3A_428 = arith.constant 0 : i32
    %dma_start3A_429 = arith.constant 0 : i32
    %dma_start3A_430 = tpu.memref_slice %arg7[%arg1, %dma_start3A_419, %dma_start3A_428, %dma_start3A_429] : memref<16x4x80x128xf32, #tpu.memory_space<vmem_shared>> -> memref<1x1x80x128xf32, #tpu.memory_space<vmem_shared>>
    %dma_start3A_431 = tpu.memref_squeeze %dma_start3A_430 : memref<1x1x80x128xf32, #tpu.memory_space<vmem_shared>> -> memref<80x128xf32, #tpu.memory_space<vmem_shared>>
    %dma_start3A_432 = arith.constant 0 : i32
    %dma_start3A_433 = arith.constant 0 : i32
    %dma_start3A_434 = tpu.memref_slice %arg6[%dma_start3A_418, %dma_start3A_432, %dma_start3A_433] : memref<4x80x128xf32, #tpu.memory_space<vmem>> -> memref<1x80x128xf32, #tpu.memory_space<vmem>>
    %dma_start3A_435 = tpu.memref_squeeze %dma_start3A_434 : memref<1x80x128xf32, #tpu.memory_space<vmem>> -> memref<80x128xf32, #tpu.memory_space<vmem>>
    tpu.enqueue_dma source(%dma_start3A_435 : memref<80x128xf32, #tpu.memory_space<vmem>>) target(%dma_start3A_431 : memref<80x128xf32, #tpu.memory_space<vmem_shared>>) target_semaphore(%arg13 : memref<!tpu.dma_semaphore, #tpu.memory_space<semaphore_mem>>)
    %dma_wait3A_436 = arith.constant 1 : i32
    %dma_wait3A_437 = arith.constant 1 : i32
    %dma_wait3A_438 = arith.constant 0 : i32
    %dma_wait3A_439 = arith.constant 0 : i32
    %dma_wait3A_440 = tpu.memref_slice %arg6[%dma_wait3A_436, %dma_wait3A_438, %dma_wait3A_439] : memref<4x80x128xf32, #tpu.memory_space<vmem>> -> memref<1x80x128xf32, #tpu.memory_space<vmem>>
    %dma_wait3A_441 = tpu.memref_squeeze %dma_wait3A_440 : memref<1x80x128xf32, #tpu.memory_space<vmem>> -> memref<80x128xf32, #tpu.memory_space<vmem>>
    %dma_wait3A_442 = arith.constant 0 : i32
    %dma_wait3A_443 = arith.constant 0 : i32
    %dma_wait3A_444 = tpu.memref_slice %arg7[%arg1, %dma_wait3A_437, %dma_wait3A_442, %dma_wait3A_443] : memref<16x4x80x128xf32, #tpu.memory_space<vmem_shared>> -> memref<1x1x80x128xf32, #tpu.memory_space<vmem_shared>>
    %dma_wait3A_445 = tpu.memref_squeeze %dma_wait3A_444 : memref<1x1x80x128xf32, #tpu.memory_space<vmem_shared>> -> memref<80x128xf32, #tpu.memory_space<vmem_shared>>
    %dma_wait3A_446 = arith.constant 0 : i32
    %dma_wait3A_447 = arith.constant 0 : i32
    %dma_wait3A_448 = tpu.memref_slice %arg7[%arg1, %dma_wait3A_437, %dma_wait3A_446, %dma_wait3A_447] : memref<16x4x80x128xf32, #tpu.memory_space<vmem_shared>> -> memref<1x1x80x128xf32, #tpu.memory_space<vmem_shared>>
    %dma_wait3A_449 = tpu.memref_squeeze %dma_wait3A_448 : memref<1x1x80x128xf32, #tpu.memory_space<vmem_shared>> -> memref<80x128xf32, #tpu.memory_space<vmem_shared>>
    %dma_wait3A_450 = arith.constant 0 : i32
    %dma_wait3A_451 = arith.constant 0 : i32
    %dma_wait3A_452 = tpu.memref_slice %arg6[%dma_wait3A_436, %dma_wait3A_450, %dma_wait3A_451] : memref<4x80x128xf32, #tpu.memory_space<vmem>> -> memref<1x80x128xf32, #tpu.memory_space<vmem>>
    %dma_wait3A_453 = tpu.memref_squeeze %dma_wait3A_452 : memref<1x80x128xf32, #tpu.memory_space<vmem>> -> memref<80x128xf32, #tpu.memory_space<vmem>>
    tpu.wait_dma2 semaphore(%arg13 : memref<!tpu.dma_semaphore, #tpu.memory_space<semaphore_mem>>) src(%dma_wait3A_453 : memref<80x128xf32, #tpu.memory_space<vmem>>) dst(%dma_wait3A_449 : memref<80x128xf32, #tpu.memory_space<vmem_shared>>)
    %add3A_454 = arith.constant 25360 : i32
    %add3A_455 = arith.addi %mul3A_2, %add3A_454 : i32
    %dma_start3A_456 = arith.constant 1 : i32
    %dma_start3A_457 = arith.constant 0 : i32
    %dma_start3A_458 = tpu.memref_slice %arg4[%add3A_455, %dma_start3A_457] : memref<819200x128xf32, #tpu.memory_space<hbm>> -> memref<80x128xf32, #tpu.memory_space<hbm>>
    %dma_start3A_459 = arith.constant 0 : i32
    %dma_start3A_460 = arith.constant 0 : i32
    %dma_start3A_461 = tpu.memref_slice %arg7[%arg1, %dma_start3A_456, %dma_start3A_459, %dma_start3A_460] : memref<16x4x80x128xf32, #tpu.memory_space<vmem_shared>> -> memref<1x1x80x128xf32, #tpu.memory_space<vmem_shared>>
    %dma_start3A_462 = tpu.memref_squeeze %dma_start3A_461 : memref<1x1x80x128xf32, #tpu.memory_space<vmem_shared>> -> memref<80x128xf32, #tpu.memory_space<vmem_shared>>
    tpu.enqueue_dma source(%dma_start3A_462 : memref<80x128xf32, #tpu.memory_space<vmem_shared>>) target(%dma_start3A_458 : memref<80x128xf32, #tpu.memory_space<hbm>>) target_semaphore(%arg17 : memref<!tpu.dma_semaphore, #tpu.memory_space<semaphore_mem>>)
    %dma_wait3A_463 = arith.constant 318 : i32
    %dma_wait3A_464 = arith.constant 2 : i32
    %dma_wait3A_465 = arith.constant 0 : i32
    %dma_wait3A_466 = arith.constant 0 : i32
    %dma_wait3A_467 = tpu.memref_slice %arg6[%dma_wait3A_464, %dma_wait3A_465, %dma_wait3A_466] : memref<4x80x128xf32, #tpu.memory_space<vmem>> -> memref<1x80x128xf32, #tpu.memory_space<vmem>>
    %dma_wait3A_468 = tpu.memref_squeeze %dma_wait3A_467 : memref<1x80x128xf32, #tpu.memory_space<vmem>> -> memref<80x128xf32, #tpu.memory_space<vmem>>
    %dma_wait3A_469 = arith.constant 0 : i32
    %dma_wait3A_470 = tpu.memref_slice %arg5[%dma_wait3A_463, %dma_wait3A_469] : memref<320x80xi32, #tpu.memory_space<vmem>> -> memref<1x80xi32, #tpu.memory_space<vmem>>
    %dma_wait3A_471 = tpu.memref_squeeze %dma_wait3A_470 : memref<1x80xi32, #tpu.memory_space<vmem>> -> memref<80xi32, #tpu.memory_space<vmem>>
    %dma_wait3A_472 = arith.constant 0 : i32
    %dma_wait3A_473 = arith.constant 0 : i32
    %dma_wait3A_474 = tpu.memref_slice %arg3[%dma_wait3A_472, %dma_wait3A_473] : memref<100000x128xf32, #tpu.memory_space<hbm>> -> memref<100000x128xf32, #tpu.memory_space<hbm>>
    tpu.wait_indirect_dma semaphore(%arg10 : memref<!tpu.dma_semaphore, #tpu.memory_space<semaphore_mem>>) src(%dma_wait3A_474 : memref<100000x128xf32, #tpu.memory_space<hbm>>) dst(%dma_wait3A_468 : memref<80x128xf32, #tpu.memory_space<vmem>>)
    %add3A_475 = arith.constant 25120 : i32
    %add3A_476 = arith.addi %mul3A_2, %add3A_475 : i32
    %dma_wait3A_477 = arith.constant 2 : i32
    %dma_wait3A_478 = arith.constant 0 : i32
    %dma_wait3A_479 = tpu.memref_slice %arg4[%add3A_476, %dma_wait3A_478] : memref<819200x128xf32, #tpu.memory_space<hbm>> -> memref<80x128xf32, #tpu.memory_space<hbm>>
    %dma_wait3A_480 = arith.constant 0 : i32
    %dma_wait3A_481 = arith.constant 0 : i32
    %dma_wait3A_482 = tpu.memref_slice %arg7[%arg1, %dma_wait3A_477, %dma_wait3A_480, %dma_wait3A_481] : memref<16x4x80x128xf32, #tpu.memory_space<vmem_shared>> -> memref<1x1x80x128xf32, #tpu.memory_space<vmem_shared>>
    %dma_wait3A_483 = tpu.memref_squeeze %dma_wait3A_482 : memref<1x1x80x128xf32, #tpu.memory_space<vmem_shared>> -> memref<80x128xf32, #tpu.memory_space<vmem_shared>>
    tpu.wait_dma2 semaphore(%arg18 : memref<!tpu.dma_semaphore, #tpu.memory_space<semaphore_mem>>) src(%dma_wait3A_483 : memref<80x128xf32, #tpu.memory_space<vmem_shared>>) dst(%dma_wait3A_479 : memref<80x128xf32, #tpu.memory_space<hbm>>)
    %dma_start3A_484 = arith.constant 2 : i32
    %dma_start3A_485 = arith.constant 2 : i32
    %dma_start3A_486 = arith.constant 0 : i32
    %dma_start3A_487 = arith.constant 0 : i32
    %dma_start3A_488 = tpu.memref_slice %arg6[%dma_start3A_484, %dma_start3A_486, %dma_start3A_487] : memref<4x80x128xf32, #tpu.memory_space<vmem>> -> memref<1x80x128xf32, #tpu.memory_space<vmem>>
    %dma_start3A_489 = tpu.memref_squeeze %dma_start3A_488 : memref<1x80x128xf32, #tpu.memory_space<vmem>> -> memref<80x128xf32, #tpu.memory_space<vmem>>
    %dma_start3A_490 = arith.constant 0 : i32
    %dma_start3A_491 = arith.constant 0 : i32
    %dma_start3A_492 = tpu.memref_slice %arg7[%arg1, %dma_start3A_485, %dma_start3A_490, %dma_start3A_491] : memref<16x4x80x128xf32, #tpu.memory_space<vmem_shared>> -> memref<1x1x80x128xf32, #tpu.memory_space<vmem_shared>>
    %dma_start3A_493 = tpu.memref_squeeze %dma_start3A_492 : memref<1x1x80x128xf32, #tpu.memory_space<vmem_shared>> -> memref<80x128xf32, #tpu.memory_space<vmem_shared>>
    %dma_start3A_494 = arith.constant 0 : i32
    %dma_start3A_495 = arith.constant 0 : i32
    %dma_start3A_496 = tpu.memref_slice %arg7[%arg1, %dma_start3A_485, %dma_start3A_494, %dma_start3A_495] : memref<16x4x80x128xf32, #tpu.memory_space<vmem_shared>> -> memref<1x1x80x128xf32, #tpu.memory_space<vmem_shared>>
    %dma_start3A_497 = tpu.memref_squeeze %dma_start3A_496 : memref<1x1x80x128xf32, #tpu.memory_space<vmem_shared>> -> memref<80x128xf32, #tpu.memory_space<vmem_shared>>
    %dma_start3A_498 = arith.constant 0 : i32
    %dma_start3A_499 = arith.constant 0 : i32
    %dma_start3A_500 = tpu.memref_slice %arg6[%dma_start3A_484, %dma_start3A_498, %dma_start3A_499] : memref<4x80x128xf32, #tpu.memory_space<vmem>> -> memref<1x80x128xf32, #tpu.memory_space<vmem>>
    %dma_start3A_501 = tpu.memref_squeeze %dma_start3A_500 : memref<1x80x128xf32, #tpu.memory_space<vmem>> -> memref<80x128xf32, #tpu.memory_space<vmem>>
    tpu.enqueue_dma source(%dma_start3A_501 : memref<80x128xf32, #tpu.memory_space<vmem>>) target(%dma_start3A_497 : memref<80x128xf32, #tpu.memory_space<vmem_shared>>) target_semaphore(%arg14 : memref<!tpu.dma_semaphore, #tpu.memory_space<semaphore_mem>>)
    %dma_wait3A_502 = arith.constant 2 : i32
    %dma_wait3A_503 = arith.constant 2 : i32
    %dma_wait3A_504 = arith.constant 0 : i32
    %dma_wait3A_505 = arith.constant 0 : i32
    %dma_wait3A_506 = tpu.memref_slice %arg6[%dma_wait3A_502, %dma_wait3A_504, %dma_wait3A_505] : memref<4x80x128xf32, #tpu.memory_space<vmem>> -> memref<1x80x128xf32, #tpu.memory_space<vmem>>
    %dma_wait3A_507 = tpu.memref_squeeze %dma_wait3A_506 : memref<1x80x128xf32, #tpu.memory_space<vmem>> -> memref<80x128xf32, #tpu.memory_space<vmem>>
    %dma_wait3A_508 = arith.constant 0 : i32
    %dma_wait3A_509 = arith.constant 0 : i32
    %dma_wait3A_510 = tpu.memref_slice %arg7[%arg1, %dma_wait3A_503, %dma_wait3A_508, %dma_wait3A_509] : memref<16x4x80x128xf32, #tpu.memory_space<vmem_shared>> -> memref<1x1x80x128xf32, #tpu.memory_space<vmem_shared>>
    %dma_wait3A_511 = tpu.memref_squeeze %dma_wait3A_510 : memref<1x1x80x128xf32, #tpu.memory_space<vmem_shared>> -> memref<80x128xf32, #tpu.memory_space<vmem_shared>>
    %dma_wait3A_512 = arith.constant 0 : i32
    %dma_wait3A_513 = arith.constant 0 : i32
    %dma_wait3A_514 = tpu.memref_slice %arg7[%arg1, %dma_wait3A_503, %dma_wait3A_512, %dma_wait3A_513] : memref<16x4x80x128xf32, #tpu.memory_space<vmem_shared>> -> memref<1x1x80x128xf32, #tpu.memory_space<vmem_shared>>
    %dma_wait3A_515 = tpu.memref_squeeze %dma_wait3A_514 : memref<1x1x80x128xf32, #tpu.memory_space<vmem_shared>> -> memref<80x128xf32, #tpu.memory_space<vmem_shared>>
    %dma_wait3A_516 = arith.constant 0 : i32
    %dma_wait3A_517 = arith.constant 0 : i32
    %dma_wait3A_518 = tpu.memref_slice %arg6[%dma_wait3A_502, %dma_wait3A_516, %dma_wait3A_517] : memref<4x80x128xf32, #tpu.memory_space<vmem>> -> memref<1x80x128xf32, #tpu.memory_space<vmem>>
    %dma_wait3A_519 = tpu.memref_squeeze %dma_wait3A_518 : memref<1x80x128xf32, #tpu.memory_space<vmem>> -> memref<80x128xf32, #tpu.memory_space<vmem>>
    tpu.wait_dma2 semaphore(%arg14 : memref<!tpu.dma_semaphore, #tpu.memory_space<semaphore_mem>>) src(%dma_wait3A_519 : memref<80x128xf32, #tpu.memory_space<vmem>>) dst(%dma_wait3A_515 : memref<80x128xf32, #tpu.memory_space<vmem_shared>>)
    %add3A_520 = arith.constant 25440 : i32
    %add3A_521 = arith.addi %mul3A_2, %add3A_520 : i32
    %dma_start3A_522 = arith.constant 2 : i32
    %dma_start3A_523 = arith.constant 0 : i32
    %dma_start3A_524 = tpu.memref_slice %arg4[%add3A_521, %dma_start3A_523] : memref<819200x128xf32, #tpu.memory_space<hbm>> -> memref<80x128xf32, #tpu.memory_space<hbm>>
    %dma_start3A_525 = arith.constant 0 : i32
    %dma_start3A_526 = arith.constant 0 : i32
    %dma_start3A_527 = tpu.memref_slice %arg7[%arg1, %dma_start3A_522, %dma_start3A_525, %dma_start3A_526] : memref<16x4x80x128xf32, #tpu.memory_space<vmem_shared>> -> memref<1x1x80x128xf32, #tpu.memory_space<vmem_shared>>
    %dma_start3A_528 = tpu.memref_squeeze %dma_start3A_527 : memref<1x1x80x128xf32, #tpu.memory_space<vmem_shared>> -> memref<80x128xf32, #tpu.memory_space<vmem_shared>>
    tpu.enqueue_dma source(%dma_start3A_528 : memref<80x128xf32, #tpu.memory_space<vmem_shared>>) target(%dma_start3A_524 : memref<80x128xf32, #tpu.memory_space<hbm>>) target_semaphore(%arg18 : memref<!tpu.dma_semaphore, #tpu.memory_space<semaphore_mem>>)
    %dma_wait3A_529 = arith.constant 319 : i32
    %dma_wait3A_530 = arith.constant 3 : i32
    %dma_wait3A_531 = arith.constant 0 : i32
    %dma_wait3A_532 = arith.constant 0 : i32
    %dma_wait3A_533 = tpu.memref_slice %arg6[%dma_wait3A_530, %dma_wait3A_531, %dma_wait3A_532] : memref<4x80x128xf32, #tpu.memory_space<vmem>> -> memref<1x80x128xf32, #tpu.memory_space<vmem>>
    %dma_wait3A_534 = tpu.memref_squeeze %dma_wait3A_533 : memref<1x80x128xf32, #tpu.memory_space<vmem>> -> memref<80x128xf32, #tpu.memory_space<vmem>>
    %dma_wait3A_535 = arith.constant 0 : i32
    %dma_wait3A_536 = tpu.memref_slice %arg5[%dma_wait3A_529, %dma_wait3A_535] : memref<320x80xi32, #tpu.memory_space<vmem>> -> memref<1x80xi32, #tpu.memory_space<vmem>>
    %dma_wait3A_537 = tpu.memref_squeeze %dma_wait3A_536 : memref<1x80xi32, #tpu.memory_space<vmem>> -> memref<80xi32, #tpu.memory_space<vmem>>
    %dma_wait3A_538 = arith.constant 0 : i32
    %dma_wait3A_539 = arith.constant 0 : i32
    %dma_wait3A_540 = tpu.memref_slice %arg3[%dma_wait3A_538, %dma_wait3A_539] : memref<100000x128xf32, #tpu.memory_space<hbm>> -> memref<100000x128xf32, #tpu.memory_space<hbm>>
    tpu.wait_indirect_dma semaphore(%arg11 : memref<!tpu.dma_semaphore, #tpu.memory_space<semaphore_mem>>) src(%dma_wait3A_540 : memref<100000x128xf32, #tpu.memory_space<hbm>>) dst(%dma_wait3A_534 : memref<80x128xf32, #tpu.memory_space<vmem>>)
    %add3A_541 = arith.constant 25200 : i32
    %add3A_542 = arith.addi %mul3A_2, %add3A_541 : i32
    %dma_wait3A_543 = arith.constant 3 : i32
    %dma_wait3A_544 = arith.constant 0 : i32
    %dma_wait3A_545 = tpu.memref_slice %arg4[%add3A_542, %dma_wait3A_544] : memref<819200x128xf32, #tpu.memory_space<hbm>> -> memref<80x128xf32, #tpu.memory_space<hbm>>
    %dma_wait3A_546 = arith.constant 0 : i32
    %dma_wait3A_547 = arith.constant 0 : i32
    %dma_wait3A_548 = tpu.memref_slice %arg7[%arg1, %dma_wait3A_543, %dma_wait3A_546, %dma_wait3A_547] : memref<16x4x80x128xf32, #tpu.memory_space<vmem_shared>> -> memref<1x1x80x128xf32, #tpu.memory_space<vmem_shared>>
    %dma_wait3A_549 = tpu.memref_squeeze %dma_wait3A_548 : memref<1x1x80x128xf32, #tpu.memory_space<vmem_shared>> -> memref<80x128xf32, #tpu.memory_space<vmem_shared>>
    tpu.wait_dma2 semaphore(%arg19 : memref<!tpu.dma_semaphore, #tpu.memory_space<semaphore_mem>>) src(%dma_wait3A_549 : memref<80x128xf32, #tpu.memory_space<vmem_shared>>) dst(%dma_wait3A_545 : memref<80x128xf32, #tpu.memory_space<hbm>>)
    %dma_start3A_550 = arith.constant 3 : i32
    %dma_start3A_551 = arith.constant 3 : i32
    %dma_start3A_552 = arith.constant 0 : i32
    %dma_start3A_553 = arith.constant 0 : i32
    %dma_start3A_554 = tpu.memref_slice %arg6[%dma_start3A_550, %dma_start3A_552, %dma_start3A_553] : memref<4x80x128xf32, #tpu.memory_space<vmem>> -> memref<1x80x128xf32, #tpu.memory_space<vmem>>
    %dma_start3A_555 = tpu.memref_squeeze %dma_start3A_554 : memref<1x80x128xf32, #tpu.memory_space<vmem>> -> memref<80x128xf32, #tpu.memory_space<vmem>>
    %dma_start3A_556 = arith.constant 0 : i32
    %dma_start3A_557 = arith.constant 0 : i32
    %dma_start3A_558 = tpu.memref_slice %arg7[%arg1, %dma_start3A_551, %dma_start3A_556, %dma_start3A_557] : memref<16x4x80x128xf32, #tpu.memory_space<vmem_shared>> -> memref<1x1x80x128xf32, #tpu.memory_space<vmem_shared>>
    %dma_start3A_559 = tpu.memref_squeeze %dma_start3A_558 : memref<1x1x80x128xf32, #tpu.memory_space<vmem_shared>> -> memref<80x128xf32, #tpu.memory_space<vmem_shared>>
    %dma_start3A_560 = arith.constant 0 : i32
    %dma_start3A_561 = arith.constant 0 : i32
    %dma_start3A_562 = tpu.memref_slice %arg7[%arg1, %dma_start3A_551, %dma_start3A_560, %dma_start3A_561] : memref<16x4x80x128xf32, #tpu.memory_space<vmem_shared>> -> memref<1x1x80x128xf32, #tpu.memory_space<vmem_shared>>
    %dma_start3A_563 = tpu.memref_squeeze %dma_start3A_562 : memref<1x1x80x128xf32, #tpu.memory_space<vmem_shared>> -> memref<80x128xf32, #tpu.memory_space<vmem_shared>>
    %dma_start3A_564 = arith.constant 0 : i32
    %dma_start3A_565 = arith.constant 0 : i32
    %dma_start3A_566 = tpu.memref_slice %arg6[%dma_start3A_550, %dma_start3A_564, %dma_start3A_565] : memref<4x80x128xf32, #tpu.memory_space<vmem>> -> memref<1x80x128xf32, #tpu.memory_space<vmem>>
    %dma_start3A_567 = tpu.memref_squeeze %dma_start3A_566 : memref<1x80x128xf32, #tpu.memory_space<vmem>> -> memref<80x128xf32, #tpu.memory_space<vmem>>
    tpu.enqueue_dma source(%dma_start3A_567 : memref<80x128xf32, #tpu.memory_space<vmem>>) target(%dma_start3A_563 : memref<80x128xf32, #tpu.memory_space<vmem_shared>>) target_semaphore(%arg15 : memref<!tpu.dma_semaphore, #tpu.memory_space<semaphore_mem>>)
    %dma_wait3A_568 = arith.constant 3 : i32
    %dma_wait3A_569 = arith.constant 3 : i32
    %dma_wait3A_570 = arith.constant 0 : i32
    %dma_wait3A_571 = arith.constant 0 : i32
    %dma_wait3A_572 = tpu.memref_slice %arg6[%dma_wait3A_568, %dma_wait3A_570, %dma_wait3A_571] : memref<4x80x128xf32, #tpu.memory_space<vmem>> -> memref<1x80x128xf32, #tpu.memory_space<vmem>>
    %dma_wait3A_573 = tpu.memref_squeeze %dma_wait3A_572 : memref<1x80x128xf32, #tpu.memory_space<vmem>> -> memref<80x128xf32, #tpu.memory_space<vmem>>
    %dma_wait3A_574 = arith.constant 0 : i32
    %dma_wait3A_575 = arith.constant 0 : i32
    %dma_wait3A_576 = tpu.memref_slice %arg7[%arg1, %dma_wait3A_569, %dma_wait3A_574, %dma_wait3A_575] : memref<16x4x80x128xf32, #tpu.memory_space<vmem_shared>> -> memref<1x1x80x128xf32, #tpu.memory_space<vmem_shared>>
    %dma_wait3A_577 = tpu.memref_squeeze %dma_wait3A_576 : memref<1x1x80x128xf32, #tpu.memory_space<vmem_shared>> -> memref<80x128xf32, #tpu.memory_space<vmem_shared>>
    %dma_wait3A_578 = arith.constant 0 : i32
    %dma_wait3A_579 = arith.constant 0 : i32
    %dma_wait3A_580 = tpu.memref_slice %arg7[%arg1, %dma_wait3A_569, %dma_wait3A_578, %dma_wait3A_579] : memref<16x4x80x128xf32, #tpu.memory_space<vmem_shared>> -> memref<1x1x80x128xf32, #tpu.memory_space<vmem_shared>>
    %dma_wait3A_581 = tpu.memref_squeeze %dma_wait3A_580 : memref<1x1x80x128xf32, #tpu.memory_space<vmem_shared>> -> memref<80x128xf32, #tpu.memory_space<vmem_shared>>
    %dma_wait3A_582 = arith.constant 0 : i32
    %dma_wait3A_583 = arith.constant 0 : i32
    %dma_wait3A_584 = tpu.memref_slice %arg6[%dma_wait3A_568, %dma_wait3A_582, %dma_wait3A_583] : memref<4x80x128xf32, #tpu.memory_space<vmem>> -> memref<1x80x128xf32, #tpu.memory_space<vmem>>
    %dma_wait3A_585 = tpu.memref_squeeze %dma_wait3A_584 : memref<1x80x128xf32, #tpu.memory_space<vmem>> -> memref<80x128xf32, #tpu.memory_space<vmem>>
    tpu.wait_dma2 semaphore(%arg15 : memref<!tpu.dma_semaphore, #tpu.memory_space<semaphore_mem>>) src(%dma_wait3A_585 : memref<80x128xf32, #tpu.memory_space<vmem>>) dst(%dma_wait3A_581 : memref<80x128xf32, #tpu.memory_space<vmem_shared>>)
    %add3A_586 = arith.constant 25520 : i32
    %add3A_587 = arith.addi %mul3A_2, %add3A_586 : i32
    %dma_start3A_588 = arith.constant 3 : i32
    %dma_start3A_589 = arith.constant 0 : i32
    %dma_start3A_590 = tpu.memref_slice %arg4[%add3A_587, %dma_start3A_589] : memref<819200x128xf32, #tpu.memory_space<hbm>> -> memref<80x128xf32, #tpu.memory_space<hbm>>
    %dma_start3A_591 = arith.constant 0 : i32
    %dma_start3A_592 = arith.constant 0 : i32
    %dma_start3A_593 = tpu.memref_slice %arg7[%arg1, %dma_start3A_588, %dma_start3A_591, %dma_start3A_592] : memref<16x4x80x128xf32, #tpu.memory_space<vmem_shared>> -> memref<1x1x80x128xf32, #tpu.memory_space<vmem_shared>>
    %dma_start3A_594 = tpu.memref_squeeze %dma_start3A_593 : memref<1x1x80x128xf32, #tpu.memory_space<vmem_shared>> -> memref<80x128xf32, #tpu.memory_space<vmem_shared>>
    tpu.enqueue_dma source(%dma_start3A_594 : memref<80x128xf32, #tpu.memory_space<vmem_shared>>) target(%dma_start3A_590 : memref<80x128xf32, #tpu.memory_space<hbm>>) target_semaphore(%arg19 : memref<!tpu.dma_semaphore, #tpu.memory_space<semaphore_mem>>)
    %add3A_595 = arith.constant 25280 : i32
    %add3A_596 = arith.addi %mul3A_2, %add3A_595 : i32
    %dma_wait3A_597 = arith.constant 0 : i32
    %dma_wait3A_598 = arith.constant 0 : i32
    %dma_wait3A_599 = tpu.memref_slice %arg4[%add3A_596, %dma_wait3A_598] : memref<819200x128xf32, #tpu.memory_space<hbm>> -> memref<80x128xf32, #tpu.memory_space<hbm>>
    %dma_wait3A_600 = arith.constant 0 : i32
    %dma_wait3A_601 = arith.constant 0 : i32
    %dma_wait3A_602 = tpu.memref_slice %arg7[%arg1, %dma_wait3A_597, %dma_wait3A_600, %dma_wait3A_601] : memref<16x4x80x128xf32, #tpu.memory_space<vmem_shared>> -> memref<1x1x80x128xf32, #tpu.memory_space<vmem_shared>>
    %dma_wait3A_603 = tpu.memref_squeeze %dma_wait3A_602 : memref<1x1x80x128xf32, #tpu.memory_space<vmem_shared>> -> memref<80x128xf32, #tpu.memory_space<vmem_shared>>
    tpu.wait_dma2 semaphore(%arg16 : memref<!tpu.dma_semaphore, #tpu.memory_space<semaphore_mem>>) src(%dma_wait3A_603 : memref<80x128xf32, #tpu.memory_space<vmem_shared>>) dst(%dma_wait3A_599 : memref<80x128xf32, #tpu.memory_space<hbm>>)
    %add3A_604 = arith.constant 25360 : i32
    %add3A_605 = arith.addi %mul3A_2, %add3A_604 : i32
    %dma_wait3A_606 = arith.constant 1 : i32
    %dma_wait3A_607 = arith.constant 0 : i32
    %dma_wait3A_608 = tpu.memref_slice %arg4[%add3A_605, %dma_wait3A_607] : memref<819200x128xf32, #tpu.memory_space<hbm>> -> memref<80x128xf32, #tpu.memory_space<hbm>>
    %dma_wait3A_609 = arith.constant 0 : i32
    %dma_wait3A_610 = arith.constant 0 : i32
    %dma_wait3A_611 = tpu.memref_slice %arg7[%arg1, %dma_wait3A_606, %dma_wait3A_609, %dma_wait3A_610] : memref<16x4x80x128xf32, #tpu.memory_space<vmem_shared>> -> memref<1x1x80x128xf32, #tpu.memory_space<vmem_shared>>
    %dma_wait3A_612 = tpu.memref_squeeze %dma_wait3A_611 : memref<1x1x80x128xf32, #tpu.memory_space<vmem_shared>> -> memref<80x128xf32, #tpu.memory_space<vmem_shared>>
    tpu.wait_dma2 semaphore(%arg17 : memref<!tpu.dma_semaphore, #tpu.memory_space<semaphore_mem>>) src(%dma_wait3A_612 : memref<80x128xf32, #tpu.memory_space<vmem_shared>>) dst(%dma_wait3A_608 : memref<80x128xf32, #tpu.memory_space<hbm>>)
    %add3A_613 = arith.constant 25440 : i32
    %add3A_614 = arith.addi %mul3A_2, %add3A_613 : i32
    %dma_wait3A_615 = arith.constant 2 : i32
    %dma_wait3A_616 = arith.constant 0 : i32
    %dma_wait3A_617 = tpu.memref_slice %arg4[%add3A_614, %dma_wait3A_616] : memref<819200x128xf32, #tpu.memory_space<hbm>> -> memref<80x128xf32, #tpu.memory_space<hbm>>
    %dma_wait3A_618 = arith.constant 0 : i32
    %dma_wait3A_619 = arith.constant 0 : i32
    %dma_wait3A_620 = tpu.memref_slice %arg7[%arg1, %dma_wait3A_615, %dma_wait3A_618, %dma_wait3A_619] : memref<16x4x80x128xf32, #tpu.memory_space<vmem_shared>> -> memref<1x1x80x128xf32, #tpu.memory_space<vmem_shared>>
    %dma_wait3A_621 = tpu.memref_squeeze %dma_wait3A_620 : memref<1x1x80x128xf32, #tpu.memory_space<vmem_shared>> -> memref<80x128xf32, #tpu.memory_space<vmem_shared>>
    tpu.wait_dma2 semaphore(%arg18 : memref<!tpu.dma_semaphore, #tpu.memory_space<semaphore_mem>>) src(%dma_wait3A_621 : memref<80x128xf32, #tpu.memory_space<vmem_shared>>) dst(%dma_wait3A_617 : memref<80x128xf32, #tpu.memory_space<hbm>>)
    %add3A_622 = arith.constant 25520 : i32
    %add3A_623 = arith.addi %mul3A_2, %add3A_622 : i32
    %dma_wait3A_624 = arith.constant 3 : i32
    %dma_wait3A_625 = arith.constant 0 : i32
    %dma_wait3A_626 = tpu.memref_slice %arg4[%add3A_623, %dma_wait3A_625] : memref<819200x128xf32, #tpu.memory_space<hbm>> -> memref<80x128xf32, #tpu.memory_space<hbm>>
    %dma_wait3A_627 = arith.constant 0 : i32
    %dma_wait3A_628 = arith.constant 0 : i32
    %dma_wait3A_629 = tpu.memref_slice %arg7[%arg1, %dma_wait3A_624, %dma_wait3A_627, %dma_wait3A_628] : memref<16x4x80x128xf32, #tpu.memory_space<vmem_shared>> -> memref<1x1x80x128xf32, #tpu.memory_space<vmem_shared>>
    %dma_wait3A_630 = tpu.memref_squeeze %dma_wait3A_629 : memref<1x1x80x128xf32, #tpu.memory_space<vmem_shared>> -> memref<80x128xf32, #tpu.memory_space<vmem_shared>>
    tpu.wait_dma2 semaphore(%arg19 : memref<!tpu.dma_semaphore, #tpu.memory_space<semaphore_mem>>) src(%dma_wait3A_630 : memref<80x128xf32, #tpu.memory_space<vmem_shared>>) dst(%dma_wait3A_626 : memref<80x128xf32, #tpu.memory_space<hbm>>)
    return
  }
}

</mosaic_0001>

<sc_bundles>
// kernel: kernel.3.cloned.1.call-start
scs
__scs_entry_jumppad:
0x0: {  	(pc) =	sbr.rel $0x88, $3  }
0x1: {  	(tag) =	ssettag $0x0;
	lr =	simm.s32 $0x1  }
0x2: {  	[smem:$0x3F9F] =	sst lr;
	_ =	strace $0xD0000000  }
0x3: {  	_ = 	snop  }
0x4: {  	_ = 	snop  }
0x5: {  	_ = 	snop  }
0x6: {  	_ = 	snop  }
0x7: {  	_ = 	snop  }
__scs_overlays_trampoline_lowered:
0x8: {  	[smem:$0x3FAE] =	sst s0  }
0x9: {  	[smem:$0x3FAF] =	sst s1  }
0xa: {  	[smem:$0x3FB0] =	sst s2  }
0xb: {  	[smem:$0x3FB1] =	sst s3  }
0xc: {  	[smem:$0x3FB2] =	sst s4  }
0xd: {  	[smem:$0x3FB3] =	sst s5  }
0xe: {  	[smem:$0x3FB4] =	sst s6  }
0xf: {  	[smem:$0x3FB5] =	sst s7  }
0x10: {  	[smem:$0x3FB6] =	sst s8  }
0x11: {  	[smem:$0x3FB7] =	sst s9;
	s0 =	simm.s32 @!p0 $0x0  }
0x12: {  	s1 =	sld [smem:$0x3F9D];
	s0 =	simm.s32 @p0 $0x1  }
0x13: {  	[smem:$0x3FB8] =	sst s0;
	s0 =	simm.s32 @!p1 $0x0  }
0x14: {  	s2 =	sld [smem:$0x3F9C];
	s0 =	simm.s32 @p1 $0x1  }
0x15: {  	[smem:$0x3FB9] =	sst s0;
	s0 =	simm.s32 @!p2 $0x0  }
0x16: {  	s3 =	sld [smem:$0x3FDB];
	s0 =	simm.s32 @p2 $0x1  }
0x17: {  	s4 =	simm.s32 $0x1BF5;
	[smem:$0x3FBB] =	sst s0  }
0x18: {  	s0 =	sld [smem:$0x3F9E];
	_ =	swait.ge [sflag:s4], $0x0  }
0x19: {  	s7 =	sld [smem:$0x3F9F]  }
0x1a: {  	s8 =	sadd.s32 $0xFFFFE003, lr  }
0x1b: {  	s9 =	sadd.s32 $0xFFFFFEF7, lr;
	s5 =	simm.s32 $0xFFFFFFFF;
	p2 =	slt.u32 s8, $0xFFFFF086  }
0x1c: {  	p1 =	slt.u32 s9, $0xF7A;
	s5 =	simm.s32 @!p2 $0x0  }
0x1d: {  	s5 =	simm.s32 @p1 $0x1;
	p0 =	seq.s32 s7, s2  }
0x1e: {  	s7 =	smul.u32 @!p0 $0xF7A, s2;
	p2 =	seq.s32 @!p0 s5, $0x0  }
0x1f: {  	s9 =	smul.u32 $0xF7A, s1;
	s8 =	simm.s32 @!p0 $0x1BF5;
	p2 =	por !p2, p0  }
0x20: {  	[sflag:s8] =	ssyncset.s32 @!p0 $0xFFFFF086;
	s6 =	sadd.s32 @!p0 s3, s7;
	s7 =	simm.s32 @!p0 $0x108  }
0x21: {  	s3 =	sadd.s32 s3, s9;
	s6 =	sadd.s32 @!p0 $0x88, s6;
	s7 =	simm.s32 @p2 $0x1082  }
0x22: {  	[simem:s7], [sflag:s8] =	dma.local @!p0 [hbm:s6], $0xF7A  }
0x23: {  	s9 =	sor.u32 $0xD0000000, s2;
	s6 =	simm.s32 $0x108;
	_ =	swait.ge @!p0 [sflag:s8], $0x0  }
0x24: {  	s3 =	sadd.s32 $0x88, s3;
	s6 =	simm.s32 @!p1 $0x1082;
	[sflag:s4] =	ssyncset.s32 $0xFFFFF086  }
0x25: {  	[simem:s6], [sflag:s4] =	dma.local [hbm:s3], $0xF7A  }
0x26: {  	[smem:$0x3F9F] =	sst s1;
	(tag) =	ssettag s2;
	_ =	strace s9  }
0x27: {  	s1 =	sld [smem:$0x3FAF]  }
0x28: {  	s2 =	sld [smem:$0x3FB0]  }
0x29: {  	s4 =	sld [smem:$0x3FB2]  }
0x2a: {  	p0 =	seq.s32 s5, $0x0;
	s5 =	sld [smem:$0x3FB3]  }
0x2b: {  	s6 =	sld [smem:$0x3FB4]  }
0x2c: {  	s7 =	sld [smem:$0x3FB5]  }
0x2d: {  	s3 =	simm.s32 $0x108;
	s8 =	sld [smem:$0x3FB6]  }
0x2e: {  	s3 =	simm.s32 @!p0 $0x1082;
	s9 =	sld [smem:$0x3FB7]  }
0x2f: {  	lr =	sadd.s32 s0, s3;
	s0 =	sld [smem:$0x3FAE]  }
0x30: {  	s3 =	sld [smem:$0x3FB1]  }
0x31: {  	[smem:$0x3FBA] =	sst s10  }
0x32: {  	s10 =	sld [smem:$0x3FB8];
	_ =	sdelay $0x3  }
0x33: {  	p0 =	seq.s32 s10, $0x1;
	s10 =	sld [smem:$0x3FBA];
	_ =	sdelay $0x3  }
0x34: {  	[smem:$0x3FBA] =	sst s10  }
0x35: {  	s10 =	sld [smem:$0x3FB9];
	_ =	sdelay $0x3  }
0x36: {  	p1 =	seq.s32 s10, $0x1;
	s10 =	sld [smem:$0x3FBA];
	_ =	sdelay $0x3  }
0x37: {  	[smem:$0x3FBA] =	sst s10  }
0x38: {  	s10 =	sld [smem:$0x3FBB]  }
0x39: {  	_ = 	snop;
	(pc) =	sbr.ind lr, $3  }
0x3a: {  	_ = 	snop  }
0x3b: {  	_ = 	snop  }
0x3c: {  	p2 =	seq.s32 s10, $0x1;
	s10 =	sld [smem:$0x3FBA]  }
0x3d: {  	_ =	shalt  }
0x3e: {  	_ =	shalt  }
0x3f: {  	_ =	shalt  }
0x40: {  	_ =	shalt  }
0x41: {  	_ =	shalt  }
0x42: {  	_ =	shalt  }
0x43: {  	_ =	shalt  }
0x44: {  	_ =	shalt  }
0x45: {  	_ =	shalt  }
0x46: {  	_ =	shalt  }
0x47: {  	_ =	shalt  }
0x48: {  	_ =	shalt  }
0x49: {  	_ =	shalt  }
0x4a: {  	_ =	shalt  }
0x4b: {  	_ =	shalt  }
0x4c: {  	_ =	shalt  }
0x4d: {  	_ =	shalt  }
0x4e: {  	_ =	shalt  }
0x4f: {  	_ =	shalt  }
0x50: {  	_ =	shalt  }
0x51: {  	_ =	shalt  }
0x52: {  	_ =	shalt  }
0x53: {  	_ =	shalt  }
0x54: {  	_ =	shalt  }
0x55: {  	_ =	shalt  }
0x56: {  	_ =	shalt  }
0x57: {  	_ =	shalt  }
0x58: {  	_ =	shalt  }
0x59: {  	_ =	shalt  }
0x5a: {  	_ =	shalt  }
0x5b: {  	_ =	shalt  }
0x5c: {  	_ =	shalt  }
0x5d: {  	_ =	shalt  }
0x5e: {  	_ =	shalt  }
0x5f: {  	_ =	shalt  }
0x60: {  	_ =	shalt  }
0x61: {  	_ =	shalt  }
0x62: {  	_ =	shalt  }
0x63: {  	_ =	shalt  }
0x64: {  	_ =	shalt  }
0x65: {  	_ =	shalt  }
0x66: {  	_ =	shalt  }
0x67: {  	_ =	shalt  }
0x68: {  	_ =	shalt  }
0x69: {  	_ =	shalt  }
0x6a: {  	_ =	shalt  }
0x6b: {  	_ =	shalt  }
0x6c: {  	_ =	shalt  }
0x6d: {  	_ =	shalt  }
0x6e: {  	_ =	shalt  }
0x6f: {  	_ =	shalt  }
0x70: {  	_ =	shalt  }
0x71: {  	_ =	shalt  }
0x72: {  	_ =	shalt  }
0x73: {  	_ =	shalt  }
0x74: {  	_ =	shalt  }
0x75: {  	_ =	shalt  }
0x76: {  	_ =	shalt  }
0x77: {  	_ =	shalt  }
0x78: {  	_ =	shalt  }
0x79: {  	_ =	shalt  }
0x7a: {  	_ =	shalt  }
0x7b: {  	_ =	shalt  }
0x7c: {  	_ =	shalt  }
0x7d: {  	_ =	shalt  }
0x7e: {  	_ =	shalt  }
0x7f: {  	_ =	shalt  }
0x80: {  	_ =	shalt  }
0x81: {  	_ =	shalt  }
0x82: {  	_ =	shalt  }
0x83: {  	_ =	shalt  }
0x84: {  	_ =	shalt  }
0x85: {  	_ =	shalt  }
0x86: {  	_ =	shalt  }
0x87: {  	_ =	shalt  }
.Lfunc_end0:
.L_simem_size_0:
called_computation_lowered:
.L_overlay_start_0:
0x88: {  	s2 =	sld [smem:$0x3FD9]  }
0x89: {  	s3 =	sld [smem:$0x3FFE];
	_ =	sdelay $0x1  }
0x8a: {  	s1 =	srdreg.scid  }
0x8b: {  	s0 =	sand.u32 $0x1, s1  }
0x8c: {  	s17 =	sshll.u32 s0, $0xA;
	s2 =	sadd.s32 s3, s2  }
0x8d: {  	s2 =	sadd.s32 s2, s17  }
0x8e: {  	[smem:$0x3FC6] =	sst s2  }
0x8f: {  	_ = 	snop  }
0x90: {  	s2 =	sld [smem:$0x3FC8]  }
0x91: {  	s18 =	sld [smem:$0x3FD0];
	(tm) =	ssettm $0x1  }
0x92: {  	s4 =	sld [smem:$0x3FFB];
	_ =	sdelay $0x3  }
0x93: {  	_ =	strace s4  }
0x94: {  	s4 =	sld [smem:$0x3FFC];
	_ =	sdelay $0x3  }
0x95: {  	_ =	strace s4  }
0x96: {  	s4 =	sld [smem:$0x3FFD];
	_ =	sdelay $0x3  }
0x97: {  	_ =	strace s4  }
0x98: {  	_ =	strace $0x8FFFFFFF  }
0x99: {  	s19 =	sld [smem:$0x3FDB];
	_ =	sdelay $0x1  }
0x9a: {  	s5 =	simm.s32 $_scs_section_size  }
0x9b: {  	s6 =	simm.s32 $_size__tile_overlayer_lowered;
	s7 =	simm.s32 $_tile_overlayer_lowered  }
0x9c: {  	s22 =	simm.s32 $0x1BFF;
	s21 =	sshll.u32 s7, $0x1;
	s4 =	sadd.s32 s5, s19  }
0x9d: {  	s8 =	simm.s32 $0x0;
	s20 =	sshll.u32 s6, $0x1;
	s6 =	sadd.s32 s21, s4  }
0x9e: {  	[timem:s8], [sflag:s22] =	dma.local [hbm:s6], s20  }
0x9f: {  	_ =	swait.ge [sflag:s22], s20  }
0xa0: {  	s5 =	ssub.s32 $0x0, s20;
	[sflag:s22] =	ssyncset.done $0x0  }
0xa1: {  	[sflag:s22] =	ssyncadd.s32 s5;
	_ =	sdelay $0x1  }
0xa2: {  	s23 =	simm.s32 $0x1B8B  }
0xa3: {  	_ =	swait.ge [sflag:s23], $0x1  }
0xa4: {  	[sflag:s23] =	ssyncset.done $0x0  }
0xa5: {  	s25 =	simm.s32 $0x1B8E;
	s24 =	sld [smem:$0x3FFE];
	[sflag:s23] =	ssyncadd.s32 $0xFFFFFFFF  }
0xa6: {  	s26 =	simm.s32 $execute0_lowered;
	[smem:$0x3FD2] =	sst s25  }
0xa7: {  	s6 =	sshll.u32 s26, $0x1;
	_ =	strace $0x80000046;
	[dreg:$0x1] =	wrdreg $0xFFFFFFFF  }
0xa8: {  	s28 =	simm.s32 $_size_execute0_lowered;
	s4 =	sadd.s32 s4, s6;
	[dreg:$0x0] =	wrdreg $0x0  }
0xa9: {  	s6 =	sshll.u32 s28, $0x1;
	[dreg:$0x2] =	wrdreg s4  }
0xaa: {  	[dreg:$0x3] =	wrdreg s6  }
0xab: {  	[dreg:$0x4] =	wrdreg $0xC0  }
0xac: {  	_ =	task [dreg:s8], $0x5FFFF  }
0xad: {  	[dreg:$0x1] =	wrdreg $0xFFFFFFFF  }
0xae: {  	[dreg:$0x0] =	wrdreg $0x60  }
0xaf: {  	[dreg:$0x2] =	wrdreg s24  }
0xb0: {  	[dreg:$0x3] =	wrdreg s2  }
0xb1: {  	[dreg:$0x4] =	wrdreg s18  }
0xb2: {  	[dreg:$0x5] =	wrdreg $0x140000  }
0xb3: {  	[dreg:$0x6] =	wrdreg $0x9  }
0xb4: {  	_ =	task.clear_ibuf [dreg:s8], $0x7FFFF;
	_ =	strace $0x90000046  }
0xb5: {  	s29 =	simm.s32 $0x9;
	_ =	strace $0x80000048  }
0xb6: {  	_ =	swait.ge [sflag:s29], $0x1  }
0xb7: {  	[sflag:s29] =	ssyncadd.s32 $0xFFFFFFFF  }
0xb8: {  	_ =	strace $0x90000048  }
0xb9: {  	_ =	sfence  }
0xba: {  	s30 =	sld [smem:$0x0];
	_ =	sdelay $0x2  }
0xbb: {  	s31 =	sshll.u32 s1, $0xD;
	s1 =	sshrl.u32 s1, $0x2  }
0xbc: {  	s3 =	sand.u32 $0x4000, s31;
	s1 =	sadd.s32 s1, s30  }
0xbd: {  	s0 =	sor.u32 s3, s0;
	s1 =	sshll.u32 s1, $0x11  }
0xbe: {  	s0 =	sor.u32 s1, s0  }
0xbf: {  	s0 =	sadd.s32 $0x8F2B, s0  }
0xc0: {  	[sflag:s0] =	ssyncadd.remote.s32 $0x1  }
0xc1: {  	_ =	sfence.sel $0xFFFF  }
0xc2: {  	[dreg:$0x0] =	wrdreg $0xFFFFFFFF;
	(pc) =	sbr.abs _section_cstart, $3  }
0xc3: {  	[dreg:$0x1] =	wrdreg $0xFFFFFFFF  }
0xc4: {  	_ =	task.clear_ibuf [dreg:s8], $0x2FFFF;
	_ =	strace $0x9FFFFFFF  }
0xc5: {  	(tm) =	ssettm $0x7FFFFFFF  }
tec
execute0_lowered:
.L_overlay_start_1:
0x0: {  	(tag) =	ssettag $0x1  }
0x1: {  	s0 =	rddreg [dreg:$0x0]  }
0x2: {  	s1 =	rddreg [dreg:$0x1]  }
0x3: {  	s2 =	srdreg.scid;
	s3 =	rddreg [dreg:$0x2]  }
0x4: {  	s11 =	stileid.u32;
	s5 =	rddreg [dreg:$0x3]  }
0x5: {  	s7 =	simm.s32 $0x0;
	s31 =	simm.s32 $0x8;
	s2 =	sand.u32 $0x1, s2  }
0x6: {  	s4 =	sshll.u32 s11, $0x1;
	[smem:$0x7FF] =	sst s7;
	s8 =	smul.u32 $0x28000, s11  }
0x7: {  	s23 =	smul.u32 $0xC8000, s11;
	s4 =	sor.u32 s2, s4;
	s13 =	ssub.s32 $0x2, s2  }
0x8: {  	_ =	strace $0x80000047;
	s2 =	smul.u32 $0x64000, s2;
	s15 =	sshrl.u32 s8, $0x2  }
0x9: {  	s6 =	smul.u32 $0x1400, s4;
	s9 =	sshrl.u32 s13, $0x1;
	s5 =	sadd.s32 s15, s5  }
0xa: {  	s10 =	smul.u32 $0x64000, s4;
	s17 =	sadd.s32 $0x2800, s5;
	[dreg:$0x5] =	wrdreg s5  }
0xb: {  	s4 =	smul.u32 $0x320000, s4;
	s19 =	sadd.s32 $0x5000, s5;
	[dreg:$0x6] =	wrdreg s17  }
0xc: {  	s8 =	simm.s32 $0xB;
	s22 =	sadd.s32 $0x7800, s5;
	[dreg:$0x7] =	wrdreg s19  }
0xd: {  	s14 =	ssub.s32 s13, s9;
	s16 =	sadd.s32 s3, s10;
	[dreg:$0x8] =	wrdreg s22  }
0xe: {  	s0 =	sadd.s32 s6, s0;
	s29 =	smax.u32 s14, $0x1;
	[dreg:$0x9] =	wrdreg s16  }
0xf: {  	s21 =	sshrl.u32 s4, $0x3;
	s0 =	sadd.s32 $0x400, s0;
	[dreg:$0x12] =	wrdreg s29  }
0x10: {  	s6 =	simm.s32 $0xA;
	s18 =	sadd.s32 $0x500, s16;
	[dreg:$0xa] =	wrdreg s0  }
0x11: {  	s10 =	simm.s32 $0xC;
	s20 =	sadd.s32 $0xA00, s16;
	[dreg:$0xb] =	wrdreg s18  }
0x12: {  	s5 =	simm.s32 $0x0;
	s24 =	sadd.s32 $0xF00, s16;
	[dreg:$0xc] =	wrdreg s20  }
0x13: {  	s22 =	simm.s32 $0x4;
	s0 =	sadd.s32 s3, s21;
	[dreg:$0xd] =	wrdreg s24  }
0x14: {  	s3 =	sadd.s32 s23, s3;
	s20 =	simm.s32 $0x50;
	s25 =	sadd.s32 $0x62C00, s0  }
0x15: {  	s24 =	simm.s32 $0x3;
	s26 =	sadd.s32 $0x63100, s0;
	[dreg:$0xe] =	wrdreg s25  }
0x16: {  	s28 =	sadd.s32 $0x63600, s0;
	s0 =	sadd.s32 $0x63B00, s0;
	[dreg:$0xf] =	wrdreg s26  }
0x17: {  	s30 =	sadd.s32 s2, s3;
	s2 =	simm.s32 $0x2;
	[dreg:$0x10] =	wrdreg s28  }
0x18: {  	s3 =	simm.s32 $0x9;
	[dreg:$0x11] =	wrdreg s0;
	s0 =	sadd.s32 $0x2300, s30  }
0x19: {  	s26 =	simm.s32 $0x7;
	[dreg:$0x13] =	wrdreg s0;
	s0 =	simm.s32 $0x6  }
.LBB2_1:
0x1a: {  	[dreg:$0x14] =	wrdreg s5  }
0x1b: {  	s4 =	simm.s32 $0x0;
	s11 =	rddreg [dreg:$0xa];
	s12 =	simm.s32 $0xD  }
0x1c: {  	[tilespmem:s4], [sflag:$0xD] =	stream.linear.gather [hbm4b:s11+s4], $0xA000, $0x38;
	[tilespmem:$0x1E000] =	vst v63  }
0x1d: {  	_ =	swait.ge [sflag:s12], $0xA000  }
0x1e: {  	[sflag:s12] =	ssyncset.done $0x0  }
0x1f: {  	s29 =	simm.s32 $0xA000;
	[sflag:s12] =	ssyncadd.s32 $0xFFFF6000  }
0x20: {  	[tilespmem:s29], [sflag:$0x1] =	stream.indirect.gather [hbm4b:s1+s20], $0x80, s4, s20, $0xb8;
	[tilespmem:$0x1E000] =	vst v63  }
0x21: {  	s13 =	simm.s32 $0x80;
	s14 =	simm.s32 $0xC800  }
0x22: {  	[tilespmem:s14], [sflag:$0x2] =	stream.indirect.gather [hbm4b:s1+s20], $0x80, s13, s20, $0xb8;
	[tilespmem:$0x1E000] =	vst v63  }
0x23: {  	s15 =	simm.s32 $0x100;
	s16 =	simm.s32 $0xF000  }
0x24: {  	[tilespmem:s16], [sflag:$0x3] =	stream.indirect.gather [hbm4b:s1+s20], $0x80, s15, s20, $0xb8;
	[tilespmem:$0x1E000] =	vst v63  }
0x25: {  	s17 =	simm.s32 $0x180;
	s18 =	simm.s32 $0x11800  }
0x26: {  	[tilespmem:s18], [sflag:$0x4] =	stream.indirect.gather [hbm4b:s1+s20], $0x80, s17, s20, $0xb8;
	[tilespmem:$0x1E000] =	vst v63  }
0x27: {  	s18 =	simm.s32 $0x1  }
0x28: {  	_ =	swait.ge [sflag:s18], $0x2800  }
0x29: {  	s21 =	simm.s32 $0x5;
	[sflag:s18] =	ssyncset.done $0x0  }
0x2a: {  	s19 =	stileid.u32;
	s15 =	rddreg [dreg:$0x5];
	[sflag:s18] =	ssyncadd.s32 $0xFFFFD800  }
0x2b: {  	[spmem:s15] =	stream.linear.scatter [tilespmem:s29], [sflag:$0x5], $0x2800, $0x38;
	[tilespmem:$0x1E000] =	vst v63  }
0x2c: {  	s4 =	sshll.u32 s19, $0x6;
	_ =	swait.ge [sflag:s21], $0x2800  }
0x2d: {  	s25 =	simm.s32 $0x200;
	s14 =	sor.u32 $0x1C09, s4;
	[sflag:s21] =	ssyncset.done $0x0  }
0x2e: {  	s7 =	sshrl.u32 s15, $0x3;
	s23 =	rddreg [dreg:$0x9];
	[sflag:s21] =	ssyncadd.s32 $0xFFFFD800  }
0x2f: {  	[hbm:s23], [sflag:s14] =	dma.local [spmem:s7], $0x500  }
0x30: {  	[tilespmem:s29], [sflag:$0x1] =	stream.indirect.gather [hbm4b:s1+s20], $0x80, s25, s20, $0xb8;
	[tilespmem:$0x1E000] =	vst v63  }
0x31: {  	_ =	swait.ge [sflag:s2], $0x2800  }
0x32: {  	[sflag:s2] =	ssyncset.done $0x0  }
0x33: {  	s28 =	simm.s32 $0xC800;
	s9 =	rddreg [dreg:$0x6];
	[sflag:s2] =	ssyncadd.s32 $0xFFFFD800  }
0x34: {  	[spmem:s9] =	stream.linear.scatter [tilespmem:s28], [sflag:$0x6], $0x2800, $0x38;
	[tilespmem:$0x1E000] =	vst v63  }
0x35: {  	_ =	swait.ge [sflag:s0], $0x2800  }
0x36: {  	s12 =	simm.s32 $0x280;
	s23 =	sor.u32 $0x1C0A, s4;
	[sflag:s0] =	ssyncset.done $0x0  }
0x37: {  	s13 =	sshrl.u32 s9, $0x3;
	s11 =	rddreg [dreg:$0xb];
	[sflag:s0] =	ssyncadd.s32 $0xFFFFD800  }
0x38: {  	[hbm:s11], [sflag:s23] =	dma.local [spmem:s13], $0x500  }
0x39: {  	[tilespmem:s28], [sflag:$0x2] =	stream.indirect.gather [hbm4b:s1+s20], $0x80, s12, s20, $0xb8;
	[tilespmem:$0x1E000] =	vst v63  }
0x3a: {  	_ =	swait.ge [sflag:s24], $0x2800  }
0x3b: {  	[sflag:s24] =	ssyncset.done $0x0  }
0x3c: {  	s16 =	simm.s32 $0xF000;
	s11 =	rddreg [dreg:$0x7];
	[sflag:s24] =	ssyncadd.s32 $0xFFFFD800  }
0x3d: {  	[spmem:s11] =	stream.linear.scatter [tilespmem:s16], [sflag:$0x7], $0x2800, $0x38;
	[tilespmem:$0x1E000] =	vst v63  }
0x3e: {  	_ =	swait.ge [sflag:s26], $0x2800  }
0x3f: {  	s17 =	simm.s32 $0x300;
	s25 =	sor.u32 $0x1C0B, s4;
	[sflag:s26] =	ssyncset.done $0x0  }
0x40: {  	s28 =	sshrl.u32 s11, $0x3;
	s12 =	rddreg [dreg:$0xc];
	[sflag:s26] =	ssyncadd.s32 $0xFFFFD800  }
0x41: {  	[hbm:s12], [sflag:s25] =	dma.local [spmem:s28], $0x500  }
0x42: {  	[tilespmem:s16], [sflag:$0x3] =	stream.indirect.gather [hbm4b:s1+s20], $0x80, s17, s20, $0xb8;
	[tilespmem:$0x1E000] =	vst v63  }
0x43: {  	_ =	swait.ge [sflag:s22], $0x2800  }
0x44: {  	[sflag:s22] =	ssyncset.done $0x0  }
0x45: {  	s16 =	simm.s32 $0x11800;
	s12 =	rddreg [dreg:$0x8];
	[sflag:s22] =	ssyncadd.s32 $0xFFFFD800  }
0x46: {  	[spmem:s12] =	stream.linear.scatter [tilespmem:s16], [sflag:$0x8], $0x2800, $0x38;
	[tilespmem:$0x1E000] =	vst v63  }
0x47: {  	_ =	swait.ge [sflag:s31], $0x2800  }
0x48: {  	s5 =	sor.u32 $0x1C0C, s4;
	[sflag:s31] =	ssyncset.done $0x0  }
0x49: {  	s19 =	sshrl.u32 s12, $0x3;
	s4 =	rddreg [dreg:$0xd];
	[sflag:s31] =	ssyncadd.s32 $0xFFFFD800  }
0x4a: {  	[hbm:s4], [sflag:s5] =	dma.local [spmem:s19], $0x500  }
0x4b: {  	s30 =	smov.u32 s19;
	s19 =	simm.s32 $0x380  }
0x4c: {  	[tilespmem:s16], [sflag:$0x4] =	stream.indirect.gather [hbm4b:s1+s20], $0x80, s19, s20, $0xb8;
	[tilespmem:$0x1E000] =	vst v63  }
0x4d: {  	_ =	swait.ge [sflag:s18], $0x2800  }
0x4e: {  	[sflag:s18] =	ssyncset.done $0x0  }
0x4f: {  	[sflag:s18] =	ssyncadd.s32 $0xFFFFD800  }
0x50: {  	_ =	swait.ge [sflag:s3], $0x500  }
0x51: {  	[sflag:s3] =	ssyncset.done $0x0  }
0x52: {  	[sflag:s3] =	ssyncadd.s32 $0xFFFFFB00  }
0x53: {  	[spmem:s15] =	stream.linear.scatter [tilespmem:s29], [sflag:$0x5], $0x2800, $0x38;
	[tilespmem:$0x1E000] =	vst v63  }
0x54: {  	_ =	swait.ge [sflag:s21], $0x2800  }
0x55: {  	[sflag:s21] =	ssyncset.done $0x0  }
0x56: {  	[sflag:s21] =	ssyncadd.s32 $0xFFFFD800;
	s21 =	rddreg [dreg:$0x13]  }
0x57: {  	s17 =	smov.u32 s5;
	s5 =	sadd.s32 $0xFFFFF100, s21  }
0x58: {  	[hbm:s5], [sflag:s14] =	dma.local [spmem:s7], $0x500  }
0x59: {  	s18 =	smov.u32 s7;
	s7 =	simm.s32 $0x400  }
0x5a: {  	[tilespmem:s29], [sflag:$0x1] =	stream.indirect.gather [hbm4b:s1+s20], $0x80, s7, s20, $0xb8;
	[tilespmem:$0x1E000] =	vst v63  }
0x5b: {  	_ =	swait.ge [sflag:s2], $0x2800  }
0x5c: {  	[sflag:s2] =	ssyncset.done $0x0  }
0x5d: {  	[sflag:s2] =	ssyncadd.s32 $0xFFFFD800  }
0x5e: {  	_ =	swait.ge [sflag:s6], $0x500  }
0x5f: {  	[sflag:s6] =	ssyncset.done $0x0  }
0x60: {  	s15 =	smov.u32 s14;
	s14 =	simm.s32 $0xC800;
	[sflag:s6] =	ssyncadd.s32 $0xFFFFFB00  }
0x61: {  	[spmem:s9] =	stream.linear.scatter [tilespmem:s14], [sflag:$0x6], $0x2800, $0x38;
	[tilespmem:$0x1E000] =	vst v63  }
0x62: {  	_ =	swait.ge [sflag:s0], $0x2800  }
0x63: {  	[sflag:s0] =	ssyncset.done $0x0  }
0x64: {  	s7 =	sadd.s32 $0xFFFFF600, s21;
	s9 =	simm.s32 $0x480;
	[sflag:s0] =	ssyncadd.s32 $0xFFFFD800  }
0x65: {  	[hbm:s7], [sflag:s23] =	dma.local [spmem:s13], $0x500  }
0x66: {  	[tilespmem:s14], [sflag:$0x2] =	stream.indirect.gather [hbm4b:s1+s20], $0x80, s9, s20, $0xb8;
	[tilespmem:$0x1E000] =	vst v63  }
0x67: {  	_ =	swait.ge [sflag:s24], $0x2800  }
0x68: {  	[sflag:s24] =	ssyncset.done $0x0  }
0x69: {  	[sflag:s24] =	ssyncadd.s32 $0xFFFFD800  }
0x6a: {  	_ =	swait.ge [sflag:s8], $0x500  }
0x6b: {  	[sflag:s8] =	ssyncset.done $0x0  }
0x6c: {  	s19 =	smov.u32 s13;
	s13 =	simm.s32 $0xF000;
	[sflag:s8] =	ssyncadd.s32 $0xFFFFFB00  }
0x6d: {  	[spmem:s11] =	stream.linear.scatter [tilespmem:s13], [sflag:$0x7], $0x2800, $0x38;
	[tilespmem:$0x1E000] =	vst v63  }
0x6e: {  	_ =	swait.ge [sflag:s26], $0x2800  }
0x6f: {  	s16 =	smov.u32 s23;
	[sflag:s26] =	ssyncset.done $0x0  }
0x70: {  	s23 =	simm.s32 $0x500;
	s14 =	sadd.s32 $0xFFFFFB00, s21;
	[sflag:s26] =	ssyncadd.s32 $0xFFFFD800  }
0x71: {  	[hbm:s14], [sflag:s25] =	dma.local [spmem:s28], $0x500  }
0x72: {  	[tilespmem:s13], [sflag:$0x3] =	stream.indirect.gather [hbm4b:s1+s20], $0x80, s23, s20, $0xb8;
	[tilespmem:$0x1E000] =	vst v63  }
0x73: {  	_ =	swait.ge [sflag:s22], $0x2800  }
0x74: {  	[sflag:s22] =	ssyncset.done $0x0  }
0x75: {  	[sflag:s22] =	ssyncadd.s32 $0xFFFFD800  }
0x76: {  	_ =	swait.ge [sflag:s10], $0x500  }
0x77: {  	[sflag:s10] =	ssyncset.done $0x0  }
0x78: {  	s29 =	smov.u32 s28;
	s28 =	simm.s32 $0x11800;
	[sflag:s10] =	ssyncadd.s32 $0xFFFFFB00  }
0x79: {  	[spmem:s12] =	stream.linear.scatter [tilespmem:s28], [sflag:$0x8], $0x2800, $0x38;
	[tilespmem:$0x1E000] =	vst v63  }
0x7a: {  	s4 =	sadd.s32 $0x1400, s21;
	_ =	swait.ge [sflag:s31], $0x2800  }
0x7b: {  	s5 =	smov.u32 s25;
	s7 =	smov.u32 s21;
	[sflag:s31] =	ssyncset.done $0x0  }
0x7c: {  	s9 =	simm.s32 $0x580;
	s12 =	simm.s32 $0x800;
	[sflag:s31] =	ssyncadd.s32 $0xFFFFD800  }
.LBB2_2:
0x7d: {  	[hbm:s7], [sflag:s17] =	dma.local [spmem:s30], $0x500  }
0x7e: {  	s14 =	simm.s32 $0x11800;
	s21 =	simm.s32 $0x1  }
0x7f: {  	[tilespmem:s14], [sflag:$0x4] =	stream.indirect.gather [hbm4b:s1+s20], $0x80, s9, s20, $0xb8;
	[tilespmem:$0x1E000] =	vst v63  }
0x80: {  	_ =	swait.ge [sflag:s21], $0x2800  }
0x81: {  	[sflag:s21] =	ssyncset.done $0x0  }
0x82: {  	[sflag:s21] =	ssyncadd.s32 $0xFFFFD800  }
0x83: {  	_ =	swait.ge [sflag:s3], $0x500  }
0x84: {  	s25 =	simm.s32 $0xA000;
	[sflag:s3] =	ssyncset.done $0x0  }
0x85: {  	s13 =	simm.s32 $0x5;
	s23 =	rddreg [dreg:$0x5];
	[sflag:s3] =	ssyncadd.s32 $0xFFFFFB00  }
0x86: {  	[spmem:s23] =	stream.linear.scatter [tilespmem:s25], [sflag:$0x5], $0x2800, $0x38;
	[tilespmem:$0x1E000] =	vst v63  }
0x87: {  	s11 =	smov.u32 s12;
	_ =	swait.ge [sflag:s13], $0x2800  }
0x88: {  	s9 =	sshra.s32 s11, $0x2;
	[sflag:s13] =	ssyncset.done $0x0  }
0x89: {  	s11 =	sadd.s32 $0x400, s9;
	s21 =	sadd.s32 $0xFFFFF100, s4;
	[sflag:s13] =	ssyncadd.s32 $0xFFFFD800  }
0x8a: {  	[hbm:s21], [sflag:s15] =	dma.local [spmem:s18], $0x500  }
0x8b: {  	[tilespmem:s25], [sflag:$0x1] =	stream.indirect.gather [hbm4b:s1+s20], $0x80, s11, s20, $0xb8;
	[tilespmem:$0x1E000] =	vst v63  }
0x8c: {  	_ =	swait.ge [sflag:s2], $0x2800  }
0x8d: {  	[sflag:s2] =	ssyncset.done $0x0  }
0x8e: {  	[sflag:s2] =	ssyncadd.s32 $0xFFFFD800  }
0x8f: {  	_ =	swait.ge [sflag:s6], $0x500  }
0x90: {  	[sflag:s6] =	ssyncset.done $0x0  }
0x91: {  	s28 =	simm.s32 $0xC800;
	s21 =	rddreg [dreg:$0x6];
	[sflag:s6] =	ssyncadd.s32 $0xFFFFFB00  }
0x92: {  	[spmem:s21] =	stream.linear.scatter [tilespmem:s28], [sflag:$0x6], $0x2800, $0x38;
	[tilespmem:$0x1E000] =	vst v63  }
0x93: {  	_ =	swait.ge [sflag:s0], $0x2800  }
0x94: {  	[sflag:s0] =	ssyncset.done $0x0  }
0x95: {  	s13 =	sadd.s32 $0x480, s9;
	s25 =	sadd.s32 $0xFFFFF600, s4;
	[sflag:s0] =	ssyncadd.s32 $0xFFFFD800  }
0x96: {  	[hbm:s25], [sflag:s16] =	dma.local [spmem:s19], $0x500  }
0x97: {  	[tilespmem:s28], [sflag:$0x2] =	stream.indirect.gather [hbm4b:s1+s20], $0x80, s13, s20, $0xb8;
	[tilespmem:$0x1E000] =	vst v63  }
0x98: {  	_ =	swait.ge [sflag:s24], $0x2800  }
0x99: {  	[sflag:s24] =	ssyncset.done $0x0  }
0x9a: {  	[sflag:s24] =	ssyncadd.s32 $0xFFFFD800  }
0x9b: {  	_ =	swait.ge [sflag:s8], $0x500  }
0x9c: {  	[sflag:s8] =	ssyncset.done $0x0  }
0x9d: {  	s13 =	simm.s32 $0xF000;
	s21 =	rddreg [dreg:$0x7];
	[sflag:s8] =	ssyncadd.s32 $0xFFFFFB00  }
0x9e: {  	[spmem:s21] =	stream.linear.scatter [tilespmem:s13], [sflag:$0x7], $0x2800, $0x38;
	[tilespmem:$0x1E000] =	vst v63  }
0x9f: {  	_ =	swait.ge [sflag:s26], $0x2800  }
0xa0: {  	[sflag:s26] =	ssyncset.done $0x0  }
0xa1: {  	s11 =	sadd.s32 $0xFFFFFB00, s4;
	s21 =	sadd.s32 $0x500, s9;
	[sflag:s26] =	ssyncadd.s32 $0xFFFFD800  }
0xa2: {  	[hbm:s11], [sflag:s5] =	dma.local [spmem:s29], $0x500  }
0xa3: {  	[tilespmem:s13], [sflag:$0x3] =	stream.indirect.gather [hbm4b:s1+s20], $0x80, s21, s20, $0xb8;
	[tilespmem:$0x1E000] =	vst v63  }
0xa4: {  	_ =	swait.ge [sflag:s22], $0x2800  }
0xa5: {  	[sflag:s22] =	ssyncset.done $0x0  }
0xa6: {  	[sflag:s22] =	ssyncadd.s32 $0xFFFFD800  }
0xa7: {  	_ =	swait.ge [sflag:s10], $0x500  }
0xa8: {  	s7 =	smov.u32 s4;
	p0 =	sne.s32 s12, $0x26800;
	[sflag:s10] =	ssyncset.done $0x0  }
.Ltmp0:
0xa9: {  	s21 =	rddreg [dreg:$0x8];
	[sflag:s10] =	ssyncadd.s32 $0xFFFFFB00;
	(pc) =	sbr.rel @p0 .LBB2_2-.Ltmp0, $4  }
0xaa: {  	[spmem:s21] =	stream.linear.scatter [tilespmem:s14], [sflag:$0x8], $0x2800, $0x38;
	[tilespmem:$0x1E000] =	vst v63  }
0xab: {  	s12 =	sadd.s32 $0x800, s12;
	s23 =	simm.s32 $0xA000;
	_ =	swait.ge [sflag:s31], $0x2800  }
0xac: {  	s4 =	sadd.s32 $0x1400, s4;
	s25 =	simm.s32 $0xC800;
	[sflag:s31] =	ssyncset.done $0x0  }
0xad: {  	s28 =	simm.s32 $0xF000;
	s9 =	sadd.s32 $0x580, s9;
	[sflag:s31] =	ssyncadd.s32 $0xFFFFD800  }
0xae: {  	[hbm:s7], [sflag:s17] =	dma.local [spmem:s30], $0x500  }
0xaf: {  	s11 =	simm.s32 $0x11800;
	s4 =	simm.s32 $0x1  }
0xb0: {  	[tilespmem:s11], [sflag:$0x4] =	stream.indirect.gather [hbm4b:s1+s20], $0x80, s9, s20, $0xb8;
	[tilespmem:$0x1E000] =	vst v63  }
0xb1: {  	_ =	swait.ge [sflag:s4], $0x2800  }
0xb2: {  	[sflag:s4] =	ssyncset.done $0x0  }
0xb3: {  	[sflag:s4] =	ssyncadd.s32 $0xFFFFD800  }
0xb4: {  	_ =	swait.ge [sflag:s3], $0x500  }
0xb5: {  	[sflag:s3] =	ssyncset.done $0x0  }
0xb6: {  	s13 =	simm.s32 $0x5;
	s12 =	rddreg [dreg:$0x5];
	[sflag:s3] =	ssyncadd.s32 $0xFFFFFB00  }
0xb7: {  	[spmem:s12] =	stream.linear.scatter [tilespmem:s23], [sflag:$0x5], $0x2800, $0x38;
	[tilespmem:$0x1E000] =	vst v63  }
0xb8: {  	_ =	swait.ge [sflag:s13], $0x2800  }
0xb9: {  	[sflag:s13] =	ssyncset.done $0x0  }
0xba: {  	s14 =	rddreg [dreg:$0xe];
	[sflag:s13] =	ssyncadd.s32 $0xFFFFD800  }
0xbb: {  	[hbm:s14], [sflag:s15] =	dma.local [spmem:s18], $0x500  }
0xbc: {  	_ =	swait.ge [sflag:s2], $0x2800  }
0xbd: {  	[sflag:s2] =	ssyncset.done $0x0  }
0xbe: {  	[sflag:s2] =	ssyncadd.s32 $0xFFFFD800  }
0xbf: {  	_ =	swait.ge [sflag:s6], $0x500  }
0xc0: {  	[sflag:s6] =	ssyncset.done $0x0  }
0xc1: {  	s15 =	rddreg [dreg:$0x6];
	[sflag:s6] =	ssyncadd.s32 $0xFFFFFB00  }
0xc2: {  	[spmem:s15] =	stream.linear.scatter [tilespmem:s25], [sflag:$0x6], $0x2800, $0x38;
	[tilespmem:$0x1E000] =	vst v63  }
0xc3: {  	_ =	swait.ge [sflag:s0], $0x2800  }
0xc4: {  	[sflag:s0] =	ssyncset.done $0x0  }
0xc5: {  	s18 =	rddreg [dreg:$0xf];
	[sflag:s0] =	ssyncadd.s32 $0xFFFFD800  }
0xc6: {  	[hbm:s18], [sflag:s16] =	dma.local [spmem:s19], $0x500  }
0xc7: {  	_ =	swait.ge [sflag:s24], $0x2800  }
0xc8: {  	[sflag:s24] =	ssyncset.done $0x0  }
0xc9: {  	[sflag:s24] =	ssyncadd.s32 $0xFFFFD800  }
0xca: {  	_ =	swait.ge [sflag:s8], $0x500  }
0xcb: {  	[sflag:s8] =	ssyncset.done $0x0  }
0xcc: {  	s21 =	rddreg [dreg:$0x7];
	[sflag:s8] =	ssyncadd.s32 $0xFFFFFB00  }
0xcd: {  	[spmem:s21] =	stream.linear.scatter [tilespmem:s28], [sflag:$0x7], $0x2800, $0x38;
	[tilespmem:$0x1E000] =	vst v63  }
0xce: {  	_ =	swait.ge [sflag:s26], $0x2800  }
0xcf: {  	[sflag:s26] =	ssyncset.done $0x0  }
0xd0: {  	s23 =	rddreg [dreg:$0x10];
	[sflag:s26] =	ssyncadd.s32 $0xFFFFD800  }
0xd1: {  	[hbm:s23], [sflag:s5] =	dma.local [spmem:s29], $0x500  }
0xd2: {  	_ =	swait.ge [sflag:s22], $0x2800  }
0xd3: {  	[sflag:s22] =	ssyncset.done $0x0  }
0xd4: {  	[sflag:s22] =	ssyncadd.s32 $0xFFFFD800  }
0xd5: {  	_ =	swait.ge [sflag:s10], $0x500  }
0xd6: {  	[sflag:s10] =	ssyncset.done $0x0  }
0xd7: {  	s25 =	rddreg [dreg:$0x8];
	[sflag:s10] =	ssyncadd.s32 $0xFFFFFB00  }
0xd8: {  	[spmem:s25] =	stream.linear.scatter [tilespmem:s11], [sflag:$0x8], $0x2800, $0x38;
	[tilespmem:$0x1E000] =	vst v63  }
0xd9: {  	_ =	swait.ge [sflag:s31], $0x2800  }
0xda: {  	[sflag:s31] =	ssyncset.done $0x0  }
0xdb: {  	s28 =	rddreg [dreg:$0x11];
	[sflag:s31] =	ssyncadd.s32 $0xFFFFD800  }
0xdc: {  	[hbm:s28], [sflag:s17] =	dma.local [spmem:s30], $0x500  }
0xdd: {  	_ =	swait.ge [sflag:s3], $0x500  }
0xde: {  	[sflag:s3] =	ssyncset.done $0x0  }
0xdf: {  	[sflag:s3] =	ssyncadd.s32 $0xFFFFFB00  }
0xe0: {  	_ =	swait.ge [sflag:s6], $0x500  }
0xe1: {  	[sflag:s6] =	ssyncset.done $0x0  }
0xe2: {  	[sflag:s6] =	ssyncadd.s32 $0xFFFFFB00  }
0xe3: {  	_ =	swait.ge [sflag:s8], $0x500  }
0xe4: {  	[sflag:s8] =	ssyncset.done $0x0  }
0xe5: {  	[sflag:s8] =	ssyncadd.s32 $0xFFFFFB00  }
0xe6: {  	_ =	swait.ge [sflag:s10], $0x500  }
0xe7: {  	s29 =	rddreg [dreg:$0x14]  }
0xe8: {  	s30 =	rddreg [dreg:$0x12];
	s5 =	sadd.s32 $0x1, s29  }
0xe9: {  	p0 =	sne.s32 s5, s30  }
.Ltmp1:
0xea: {  	_ = 	snop;
	(pc) =	sbr.rel @p0 .LBB2_1-.Ltmp1, $3  }
0xeb: {  	_ =	sdelay $0x1  }
0xec: {  	[sflag:s10] =	ssyncset.done $0x0  }
0xed: {  	[sflag:s10] =	ssyncadd.s32 $0xFFFFFB00  }
0xee: {  	_ =	sfence.sel $0x180000  }
0xef: {  	[bflag:$0x0] =	sbarrier.arrive $0xFFFF  }
0xf0: {  	_ =	strace $0x90000047  }
0xf1: {  	s0 =	stileid.u32;
	[bflag:$0x2] =	sbarrier.arrive $0xFFFF  }
0xf2: {  	p0 =	sne.s32 s0, $0x0;
	s0 =	rddreg [dreg:$0x4]  }
0xf3: {  	s0 =	sadd.s32 @!p0 $0x100000, s0  }
0xf4: {  	[sflag:s0] =	ssyncadd.tile.s32 @!p0 $0x1;
	_ =	shalt  }
.Lfunc_end2:
_tile_overlayer_lowered:
.L_overlay_start_2:
0xf5: {  	(tag) =	ssettag $0x2  }
0xf6: {  	s0 =	rddreg [dreg:$0x0];
	s2 =	stileid.u32  }
0xf7: {  	s1 =	rddreg [dreg:$0x1];
	p0 =	sne.s32 s2, $0x0  }
0xf8: {  	s3 =	rddreg [dreg:$0x2];
	[bflag:$0x3] =	sbarrier.arrive $0xFFFF;
	s2 =	simm.s32 @!p0 $0x1C0D  }
0xf9: {  	[timem:s3], [sflag:s2] =	dma.local @!p0 [hbm:s0], s1  }
0xfa: {  	s0 =	simm.s32 @!p0 $0xD  }
0xfb: {  	_ =	swait.ge @!p0 [sflag:s0], s1  }
0xfc: {  	s1 =	ssub.s32 @!p0 $0x0, s1;
	[sflag:s0] =	ssyncset.done @!p0 $0x0  }
0xfd: {  	[sflag:s0] =	ssyncadd.s32 @!p0 s1  }
0xfe: {  	[bflag:$0x3] =	sbarrier.arrive $0xFFFF  }
0xff: {  	_ =	shalt  }

</sc_bundles>
